<compile_context>
chip_gen: v7x
topology: tpu7x:2x2x1
jax: 0.10.2.dev20260603
libtpu: 0.0.44.dev20260713+nightly
codegen_flags: <defaults>
</compile_context>

<pallas_src>
import functools

import jax
import jax.numpy as jnp
from jax import lax
from jax.experimental import pallas as pl
from jax.experimental.pallas import tpu as pltpu
from jax.experimental.pallas import tpu_sc as plsc

N_NODES = 10000
N_EDGES = 320000
E_PAD = 327680
F_E = 16
F_X = 128
HID = 256
OUT = 128
CW = 8

N_ACC = 10016
TRASH = 10000

SLICE = 128
K = 4
NCHUNK = 20
NPAIR = 10
NC, NS = 2, 16
E_PER_TILE = E_PAD // (NC * NS)
ROWS_PER_TILE = N_ACC // NS

PB = 32768
PG = E_PAD // PB
PG_IN = -(-N_EDGES // PB)


def _prep_body(ei_ref, at_ref, col_ref, attr_ref):
    i = pl.program_id(0)
    a = at_ref[...]
    f_idx = lax.broadcasted_iota(jnp.int32, (F_E, 128), 0)
    c_idx = lax.broadcasted_iota(jnp.int32, (F_E, 128), 1)
    acc = jnp.zeros((PB // 8, 128), jnp.float32)
    for j in range(8):
        ej = jnp.where(c_idx == f_idx + F_E * j, 1.0, 0.0)
        acc = acc + lax.dot_general(
            a[:, j * (PB // 8):(j + 1) * (PB // 8)], ej,
            (((0,), (0,)), ((), ())), preferred_element_type=jnp.float32)
    attr_ref[...] = acc
    cp = ei_ref[1].reshape(8, PB // 8).T
    r_i = lax.broadcasted_iota(jnp.int32, (PB // 8, 8), 0)
    j_i = lax.broadcasted_iota(jnp.int32, (PB // 8, 8), 1)
    p = i * PB + (PB // 8) * j_i + r_i
    cp = jnp.where(p < N_EDGES, cp, TRASH)
    cp = cp.reshape(PB // SLICE, F_E, 8)
    for m in range(F_E):
        col_ref[:, m * 8:(m + 1) * 8] = cp[:, m, :]


def _prep(edge_index, attr_t):
    return pl.pallas_call(
        _prep_body,
        grid=(PG,),
        in_specs=[
            pl.BlockSpec((2, PB), lambda i: (0, jnp.minimum(i, PG_IN - 1))),
            pl.BlockSpec((F_E, PB), lambda i: (0, jnp.minimum(i, PG_IN - 1))),
        ],
        out_specs=[
            pl.BlockSpec((PB // SLICE, SLICE), lambda i: (i, 0)),
            pl.BlockSpec((PB * F_E // 128, 128), lambda i: (i, 0)),
        ],
        out_shape=[
            jax.ShapeDtypeStruct((E_PAD // SLICE, SLICE), jnp.int32),
            jax.ShapeDtypeStruct((E_PAD * F_E // 128, 128), jnp.float32),
        ],
    )(edge_index, attr_t)


def _sc_scatter():
    mesh = plsc.VectorSubcoreMesh(core_axis_name="c", subcore_axis_name="s")

    @functools.partial(
        pl.kernel,
        out_type=(
            jax.ShapeDtypeStruct((NC, N_ACC, F_E), jnp.float32),
            jax.ShapeDtypeStruct((NC, N_ACC, CW), jnp.float32),
        ),
        mesh=mesh,
        compiler_params=pltpu.CompilerParams(use_tc_tiling_on_sc=False),
        scratch_types=[
            pltpu.VMEM_SHARED((N_ACC, F_E), jnp.float32),
            pltpu.VMEM_SHARED((N_ACC, CW), jnp.float32),
            pltpu.VMEM((K, SLICE), jnp.int32),
            pltpu.VMEM((K, SLICE), jnp.int32),
            pltpu.VMEM((K * SLICE, F_E), jnp.float32),
            pltpu.VMEM((K * SLICE, F_E), jnp.float32),
            pltpu.VMEM((SLICE, CW), jnp.float32),
            pltpu.SemaphoreType.DMA,
            pltpu.SemaphoreType.DMA,
            pltpu.SemaphoreType.DMA,
        ],
    )
    def scatter_k(col_hbm, attr_hbm, z16_hbm, z8_hbm, ones_hbm,
                  sums_out, cnts_out,
                  acc_s, acc_c, idx0, idx1, rows0, rows1, ones_v,
                  sem0, sem1, sem_s):
        cid = lax.axis_index("c")
        sid = lax.axis_index("s")
        wid = sid * NC + cid

        s0 = wid * (E_PER_TILE // SLICE)
        e0 = wid * E_PER_TILE

        def start_in(chunk, idx_v, rows_v, sem):
            pltpu.async_copy(col_hbm.at[pl.ds(s0 + chunk * K, K)],
                             idx_v, sem)
            pltpu.async_copy(
                attr_hbm.at[pl.ds(e0 + chunk * (K * SLICE), K * SLICE)],
                rows_v, sem)

        def drain_in(idx_v, rows_v, sem):
            pltpu.make_async_copy(col_hbm.at[pl.ds(0, K)], idx_v, sem).wait()
            pltpu.make_async_copy(attr_hbm.at[pl.ds(0, K * SLICE)],
                                  rows_v, sem).wait()

        def issue_scatters(idx_v, rows_v):
            ds = []
            for j in range(K):
                ds.append(pltpu.async_copy(
                    rows_v.at[pl.ds(j * SLICE, SLICE)],
                    acc_s.at[idx_v.at[j]], sem_s, add=True))
                ds.append(pltpu.async_copy(
                    ones_v, acc_c.at[idx_v.at[j]], sem_s, add=True))
            return ds

        start_in(0, idx0, rows0, sem0)
        r0 = sid * ROWS_PER_TILE
        pltpu.sync_copy(z16_hbm.at[pl.ds(r0, ROWS_PER_TILE)],
                        acc_s.at[pl.ds(r0, ROWS_PER_TILE)])
        pltpu.sync_copy(z8_hbm.at[pl.ds(r0, ROWS_PER_TILE)],
                        acc_c.at[pl.ds(r0, ROWS_PER_TILE)])
        pltpu.sync_copy(ones_hbm, ones_v)
        plsc.subcore_barrier()

        def pair(p, carry):
            start_in(2 * p + 1, idx1, rows1, sem1)
            drain_in(idx0, rows0, sem0)
            d0 = issue_scatters(idx0, rows0)
            drain_in(idx1, rows1, sem1)
            d1 = issue_scatters(idx1, rows1)
            for d in d1:
                d.wait()
            for d in d0:
                d.wait()

            @pl.when(2 * p + 2 < NCHUNK)
            def _():
                start_in(2 * p + 2, idx0, rows0, sem0)

            return carry

        lax.fori_loop(0, NPAIR, pair, 0)
        plsc.subcore_barrier()

        pltpu.sync_copy(acc_s.at[pl.ds(r0, ROWS_PER_TILE)],
                        sums_out.at[cid, pl.ds(r0, ROWS_PER_TILE)])
        pltpu.sync_copy(acc_c.at[pl.ds(r0, ROWS_PER_TILE)],
                        cnts_out.at[cid, pl.ds(r0, ROWS_PER_TILE)])

    return scatter_k


_SC_SCATTER = _sc_scatter()

BLK = 1000


def _tc_body(ps_ref, pc_ref, x_ref, w1e_ref, w1x_ref, b1_ref, w2_ref, b2_ref,
             o_ref):
    s = ps_ref[0] + ps_ref[1]
    c = pc_ref[0] + pc_ref[1]
    r = 1.0 / jnp.maximum(c, 1.0)
    mean = s * jnp.concatenate([r, r], axis=1)
    h = jnp.dot(mean, w1e_ref[...], preferred_element_type=jnp.float32)
    h = h + jnp.dot(x_ref[...], w1x_ref[...], preferred_element_type=jnp.float32)
    h = jnp.maximum(h + b1_ref[...], 0.0)
    o_ref[...] = (jnp.dot(h, w2_ref[...], preferred_element_type=jnp.float32)
                  + b2_ref[...])


def _tc_dense(psums, pcnts, x, w1e, w1x, b1, w2, b2):
    grid = N_NODES // BLK
    return pl.pallas_call(
        _tc_body,
        grid=(grid,),
        in_specs=[
            pl.BlockSpec((NC, BLK, F_E), lambda i: (0, i, 0)),
            pl.BlockSpec((NC, BLK, CW), lambda i: (0, i, 0)),
            pl.BlockSpec((BLK, F_X), lambda i: (i, 0)),
            pl.BlockSpec((F_E, HID), lambda i: (0, 0)),
            pl.BlockSpec((F_X, HID), lambda i: (0, 0)),
            pl.BlockSpec((1, HID), lambda i: (0, 0)),
            pl.BlockSpec((HID, OUT), lambda i: (0, 0)),
            pl.BlockSpec((1, OUT), lambda i: (0, 0)),
        ],
        out_specs=pl.BlockSpec((BLK, OUT), lambda i: (i, 0)),
        out_shape=jax.ShapeDtypeStruct((N_NODES, OUT), jnp.float32),
    )(psums, pcnts, x, w1e, w1x, b1, w2, b2)


def kernel(x, edge_index, edge_attr, u, W1, b1, W2, b2):
    col2d, attr128 = _prep(edge_index, edge_attr.T)
    attr2d = attr128.reshape(E_PAD, F_E)
    z16 = jnp.zeros((N_ACC, F_E), jnp.float32)
    z8 = jnp.zeros((N_ACC, CW), jnp.float32)
    ones8 = jnp.ones((SLICE, CW), jnp.float32)
    psums, pcnts = _SC_SCATTER(col2d, attr2d, z16, z8, ones8)

    w1t = W1.T
    w1e = w1t[:F_E]
    w1x = w1t[F_E:]
    return _tc_dense(psums, pcnts, x, w1e, w1x, b1.reshape(1, HID),
                     W2.T, b2.reshape(1, OUT))

# --- scband reference (transcript-rebuilt; emitter-appended) ---
"""Pipeline reference for scband-merge-model-48636209660176 (READ-ONLY COPY).

The authoritative reference and input builder live on the scoring server;
editing this copy changes nothing except your own understanding.
"""

import jax, jax.numpy as jnp
import numpy as np

N_NODES = 10000
N_EDGES = 320000
F_X = 128
F_E = 16
IN_DIM = F_X + F_E  # 144
HID = 256
OUT = 128


def setup_inputs(seed: int = 0) -> dict:
    key = jax.random.key(seed)
    k1, k2, k3, k4, k5, k6 = jax.random.split(key, 6)
    x = jax.random.normal(k1, (N_NODES, F_X), dtype=jnp.float32)
    edge_index = jax.random.randint(k2, (2, N_EDGES), 0, N_NODES, dtype=jnp.int64 if jax.config.jax_enable_x64 else jnp.int32).astype(jnp.int32)
    edge_attr = jax.random.normal(k3, (N_EDGES, F_E), dtype=jnp.float32)
    u = jnp.zeros((3, N_NODES), dtype=jnp.int32)
    # Learned parameters (nn.Linear style: W [out, in], b [out])
    W1 = jax.random.normal(k4, (HID, IN_DIM), dtype=jnp.float32) * (1.0 / np.sqrt(IN_DIM))
    b1 = jnp.zeros((HID,), dtype=jnp.float32)
    W2 = jax.random.normal(k5, (OUT, HID), dtype=jnp.float32) * (1.0 / np.sqrt(HID))
    b2 = jnp.zeros((OUT,), dtype=jnp.float32)
    return {"x": x, "edge_index": edge_index, "edge_attr": edge_attr, "u": u,
            "W1": W1, "b1": b1, "W2": W2, "b2": b2}


def reference(x, edge_index, edge_attr, u, W1, b1, W2, b2):
    # u = (u, nb, eb) in the torch code; unused since no GraphNorm/conv1d/GlobalAttention layers
    row, col = edge_index[0], edge_index[1]
    n = x.shape[0]
    # scatter_mean(edge_attr, col, dim=0, dim_size=n)
    summed = jax.ops.segment_sum(edge_attr, col, num_segments=n)
    counts = jax.ops.segment_sum(jnp.ones((edge_attr.shape[0],), dtype=edge_attr.dtype), col, num_segments=n)
    mean = summed / jnp.maximum(counts, 1.0)[:, None]
    merge_in = jnp.concatenate([mean, x], axis=1)  # [n, F_E + F_X]
    # layer 0: Linear(144 -> 256), shelf [0]
    h1 = merge_in @ W1.T + b1
    # layer 1: ReLU, shelf [1]
    h2 = jax.nn.relu(h1)
    # layer 2: Linear(256 -> 128), shelf [2]
    out = h2 @ W2.T + b2
    # torch forward returns (node_embeddings=None, global_embeddings=None, out[-1]);
    # no GlobalAttention layer present, so return the final tensor
    return out

if __name__ == "__main__":
    import jax
    _d = setup_inputs()
    print(jax.jit(kernel)(*tuple(_d.values())))

</pallas_src>

<mosaic_0001>
#map = affine_map<(d0, d1) -> (0, 0)>
#map1 = affine_map<(d0, d1) -> (0, 0, 0)>
module attributes {stable_mosaic.version = 14 : i64} {
  func.func @scatter_k(%arg0: i32, %arg1: i32, %arg2: memref<2560x128xi32, #tpu.memory_space<hbm>>, %arg3: memref<327680x16xf32, #tpu.memory_space<hbm>>, %arg4: memref<10016x16xf32, #tpu.memory_space<hbm>>, %arg5: memref<10016x8xf32, #tpu.memory_space<hbm>>, %arg6: memref<128x8xf32, #tpu.memory_space<hbm>>, %arg7: memref<2x10016x16xf32, #tpu.memory_space<hbm>>, %arg8: memref<2x10016x8xf32, #tpu.memory_space<hbm>>, %arg9: memref<10016x16xf32, #tpu.memory_space<vmem_shared>>, %arg10: memref<10016x8xf32, #tpu.memory_space<vmem_shared>>, %arg11: memref<4x128xi32, #tpu.memory_space<vmem>>, %arg12: memref<4x128xi32, #tpu.memory_space<vmem>>, %arg13: memref<512x16xf32, #tpu.memory_space<vmem>>, %arg14: memref<512x16xf32, #tpu.memory_space<vmem>>, %arg15: memref<128x8xf32, #tpu.memory_space<vmem>>, %arg16: memref<!tpu.dma_semaphore, #tpu.memory_space<semaphore_mem>>, %arg17: memref<!tpu.dma_semaphore, #tpu.memory_space<semaphore_mem>>, %arg18: memref<!tpu.dma_semaphore, #tpu.memory_space<semaphore_mem>>) attributes {dimension_semantics = [#tpu.dimension_semantics<core_parallel>, #tpu.dimension_semantics<subcore_parallel>], iteration_bounds = array<i64: 2, 16>, scalar_prefetch = 0 : i64, scratch_operands = 10 : i64, tpu.core_type = #tpu.core_type<sc_vector_subcore>, window_params = [{transform_indices = #map}, {transform_indices = #map}, {transform_indices = #map}, {transform_indices = #map}, {transform_indices = #map}, {transform_indices = #map1}, {transform_indices = #map1}]} {
    %mul3A = arith.constant 2 : i32
    %mul3A_0 = arith.muli %arg1, %mul3A : i32
    %add3A = arith.addi %mul3A_0, %arg0 : i32
    %mul3A_1 = arith.constant 80 : i32
    %mul3A_2 = arith.muli %add3A, %mul3A_1 : i32
    %mul3A_3 = arith.constant 10240 : i32
    %mul3A_4 = arith.muli %add3A, %mul3A_3 : i32
    %add3A_5 = arith.constant 0 : i32
    %add3A_6 = arith.addi %mul3A_2, %add3A_5 : i32
    %dma_start3A = arith.constant 0 : i32
    %dma_start3A_7 = tpu.memref_slice %arg2[%add3A_6, %dma_start3A] : memref<2560x128xi32, #tpu.memory_space<hbm>> -> memref<4x128xi32, #tpu.memory_space<hbm>>
    %dma_start3A_8 = arith.constant 0 : i32
    %dma_start3A_9 = tpu.memref_slice %arg2[%add3A_6, %dma_start3A_8] : memref<2560x128xi32, #tpu.memory_space<hbm>> -> memref<4x128xi32, #tpu.memory_space<hbm>>
    tpu.enqueue_dma source(%dma_start3A_9 : memref<4x128xi32, #tpu.memory_space<hbm>>) target(%arg11 : memref<4x128xi32, #tpu.memory_space<vmem>>) target_semaphore(%arg16 : memref<!tpu.dma_semaphore, #tpu.memory_space<semaphore_mem>>)
    %add3A_10 = arith.constant 0 : i32
    %add3A_11 = arith.addi %mul3A_4, %add3A_10 : i32
    %dma_start3A_12 = arith.constant 0 : i32
    %dma_start3A_13 = tpu.memref_slice %arg3[%add3A_11, %dma_start3A_12] : memref<327680x16xf32, #tpu.memory_space<hbm>> -> memref<512x16xf32, #tpu.memory_space<hbm>>
    %dma_start3A_14 = arith.constant 0 : i32
    %dma_start3A_15 = tpu.memref_slice %arg3[%add3A_11, %dma_start3A_14] : memref<327680x16xf32, #tpu.memory_space<hbm>> -> memref<512x16xf32, #tpu.memory_space<hbm>>
    tpu.enqueue_dma source(%dma_start3A_15 : memref<512x16xf32, #tpu.memory_space<hbm>>) target(%arg13 : memref<512x16xf32, #tpu.memory_space<vmem>>) target_semaphore(%arg16 : memref<!tpu.dma_semaphore, #tpu.memory_space<semaphore_mem>>)
    %mul3A_16 = arith.constant 626 : i32
    %mul3A_17 = arith.muli %arg1, %mul3A_16 : i32
    "tpu.region"() ({
      %run_scoped3A = tpu.sem_alloc : memref<!tpu.dma_semaphore, #tpu.memory_space<semaphore_mem>>
      %dma_start3A_24 = arith.constant 0 : i32
      %dma_start3A_25 = tpu.memref_slice %arg9[%mul3A_17, %dma_start3A_24] : memref<10016x16xf32, #tpu.memory_space<vmem_shared>> -> memref<626x16xf32, #tpu.memory_space<vmem_shared>>
      %dma_start3A_26 = arith.constant 0 : i32
      %dma_start3A_27 = tpu.memref_slice %arg4[%mul3A_17, %dma_start3A_26] : memref<10016x16xf32, #tpu.memory_space<hbm>> -> memref<626x16xf32, #tpu.memory_space<hbm>>
      tpu.enqueue_dma source(%dma_start3A_27 : memref<626x16xf32, #tpu.memory_space<hbm>>) target(%dma_start3A_25 : memref<626x16xf32, #tpu.memory_space<vmem_shared>>) target_semaphore(%run_scoped3A : memref<!tpu.dma_semaphore, #tpu.memory_space<semaphore_mem>>)
      %dma_wait3A = arith.constant 0 : i32
      %dma_wait3A_28 = tpu.memref_slice %arg9[%mul3A_17, %dma_wait3A] : memref<10016x16xf32, #tpu.memory_space<vmem_shared>> -> memref<626x16xf32, #tpu.memory_space<vmem_shared>>
      %dma_wait3A_29 = arith.constant 0 : i32
      %dma_wait3A_30 = tpu.memref_slice %arg4[%mul3A_17, %dma_wait3A_29] : memref<10016x16xf32, #tpu.memory_space<hbm>> -> memref<626x16xf32, #tpu.memory_space<hbm>>
      tpu.wait_dma2 semaphore(%run_scoped3A : memref<!tpu.dma_semaphore, #tpu.memory_space<semaphore_mem>>) src(%dma_wait3A_30 : memref<626x16xf32, #tpu.memory_space<hbm>>) dst(%dma_wait3A_28 : memref<626x16xf32, #tpu.memory_space<vmem_shared>>)
      tpu.yield
    }) : () -> ()
    "tpu.region"() ({
      %run_scoped3A = tpu.sem_alloc : memref<!tpu.dma_semaphore, #tpu.memory_space<semaphore_mem>>
      %dma_start3A_24 = arith.constant 0 : i32
      %dma_start3A_25 = tpu.memref_slice %arg10[%mul3A_17, %dma_start3A_24] : memref<10016x8xf32, #tpu.memory_space<vmem_shared>> -> memref<626x8xf32, #tpu.memory_space<vmem_shared>>
      %dma_start3A_26 = arith.constant 0 : i32
      %dma_start3A_27 = tpu.memref_slice %arg5[%mul3A_17, %dma_start3A_26] : memref<10016x8xf32, #tpu.memory_space<hbm>> -> memref<626x8xf32, #tpu.memory_space<hbm>>
      tpu.enqueue_dma source(%dma_start3A_27 : memref<626x8xf32, #tpu.memory_space<hbm>>) target(%dma_start3A_25 : memref<626x8xf32, #tpu.memory_space<vmem_shared>>) target_semaphore(%run_scoped3A : memref<!tpu.dma_semaphore, #tpu.memory_space<semaphore_mem>>)
      %dma_wait3A = arith.constant 0 : i32
      %dma_wait3A_28 = tpu.memref_slice %arg10[%mul3A_17, %dma_wait3A] : memref<10016x8xf32, #tpu.memory_space<vmem_shared>> -> memref<626x8xf32, #tpu.memory_space<vmem_shared>>
      %dma_wait3A_29 = arith.constant 0 : i32
      %dma_wait3A_30 = tpu.memref_slice %arg5[%mul3A_17, %dma_wait3A_29] : memref<10016x8xf32, #tpu.memory_space<hbm>> -> memref<626x8xf32, #tpu.memory_space<hbm>>
      tpu.wait_dma2 semaphore(%run_scoped3A : memref<!tpu.dma_semaphore, #tpu.memory_space<semaphore_mem>>) src(%dma_wait3A_30 : memref<626x8xf32, #tpu.memory_space<hbm>>) dst(%dma_wait3A_28 : memref<626x8xf32, #tpu.memory_space<vmem_shared>>)
      tpu.yield
    }) : () -> ()
    "tpu.region"() ({
      %run_scoped3A = tpu.sem_alloc : memref<!tpu.dma_semaphore, #tpu.memory_space<semaphore_mem>>
      tpu.enqueue_dma source(%arg6 : memref<128x8xf32, #tpu.memory_space<hbm>>) target(%arg15 : memref<128x8xf32, #tpu.memory_space<vmem>>) target_semaphore(%run_scoped3A : memref<!tpu.dma_semaphore, #tpu.memory_space<semaphore_mem>>)
      tpu.wait_dma2 semaphore(%run_scoped3A : memref<!tpu.dma_semaphore, #tpu.memory_space<semaphore_mem>>) src(%arg6 : memref<128x8xf32, #tpu.memory_space<hbm>>) dst(%arg15 : memref<128x8xf32, #tpu.memory_space<vmem>>)
      tpu.yield
    }) : () -> ()
    %barrier3A = arith.constant 0 : index
    tpu.barrier barrier_id(%barrier3A)
    %scan3A = arith.constant 0 : i32
    %scan3A_18 = arith.constant 0 : i32
    %scan3A_19 = arith.constant 10 : i32
    %scan3A_20 = arith.addi %scan3A_18, %scan3A_19 : i32
    %scan3A_21 = arith.constant 1 : i32
    scf.for %scan3A_24 = %scan3A_18 to %scan3A_20 step %scan3A_21  : i32 {
      %mul3A_25 = arith.constant 2 : i32
      %mul3A_26 = arith.muli %mul3A_25, %scan3A_24 : i32
      %add3A_27 = arith.constant 1 : i32
      %add3A_28 = arith.addi %mul3A_26, %add3A_27 : i32
      %mul3A_29 = arith.constant 4 : i32
      %mul3A_30 = arith.muli %add3A_28, %mul3A_29 : i32
      %add3A_31 = arith.addi %mul3A_2, %mul3A_30 : i32
      %dma_start3A_32 = arith.constant 0 : i32
      %dma_start3A_33 = tpu.memref_slice %arg2[%add3A_31, %dma_start3A_32] : memref<2560x128xi32, #tpu.memory_space<hbm>> -> memref<4x128xi32, #tpu.memory_space<hbm>>
      %dma_start3A_34 = arith.constant 0 : i32
      %dma_start3A_35 = tpu.memref_slice %arg2[%add3A_31, %dma_start3A_34] : memref<2560x128xi32, #tpu.memory_space<hbm>> -> memref<4x128xi32, #tpu.memory_space<hbm>>
      tpu.enqueue_dma source(%dma_start3A_35 : memref<4x128xi32, #tpu.memory_space<hbm>>) target(%arg12 : memref<4x128xi32, #tpu.memory_space<vmem>>) target_semaphore(%arg17 : memref<!tpu.dma_semaphore, #tpu.memory_space<semaphore_mem>>)
      %mul3A_36 = arith.constant 512 : i32
      %mul3A_37 = arith.muli %add3A_28, %mul3A_36 : i32
      %add3A_38 = arith.addi %mul3A_4, %mul3A_37 : i32
      %dma_start3A_39 = arith.constant 0 : i32
      %dma_start3A_40 = tpu.memref_slice %arg3[%add3A_38, %dma_start3A_39] : memref<327680x16xf32, #tpu.memory_space<hbm>> -> memref<512x16xf32, #tpu.memory_space<hbm>>
      %dma_start3A_41 = arith.constant 0 : i32
      %dma_start3A_42 = tpu.memref_slice %arg3[%add3A_38, %dma_start3A_41] : memref<327680x16xf32, #tpu.memory_space<hbm>> -> memref<512x16xf32, #tpu.memory_space<hbm>>
      tpu.enqueue_dma source(%dma_start3A_42 : memref<512x16xf32, #tpu.memory_space<hbm>>) target(%arg14 : memref<512x16xf32, #tpu.memory_space<vmem>>) target_semaphore(%arg17 : memref<!tpu.dma_semaphore, #tpu.memory_space<semaphore_mem>>)
      %dma_wait3A = arith.constant 0 : i32
      %dma_wait3A_43 = arith.constant 0 : i32
      %dma_wait3A_44 = tpu.memref_slice %arg2[%dma_wait3A, %dma_wait3A_43] : memref<2560x128xi32, #tpu.memory_space<hbm>> -> memref<4x128xi32, #tpu.memory_space<hbm>>
      %dma_wait3A_45 = arith.constant 0 : i32
      %dma_wait3A_46 = arith.constant 0 : i32
      %dma_wait3A_47 = tpu.memref_slice %arg2[%dma_wait3A_45, %dma_wait3A_46] : memref<2560x128xi32, #tpu.memory_space<hbm>> -> memref<4x128xi32, #tpu.memory_space<hbm>>
      tpu.wait_dma2 semaphore(%arg16 : memref<!tpu.dma_semaphore, #tpu.memory_space<semaphore_mem>>) src(%dma_wait3A_47 : memref<4x128xi32, #tpu.memory_space<hbm>>) dst(%arg11 : memref<4x128xi32, #tpu.memory_space<vmem>>)
      %dma_wait3A_48 = arith.constant 0 : i32
      %dma_wait3A_49 = arith.constant 0 : i32
      %dma_wait3A_50 = tpu.memref_slice %arg3[%dma_wait3A_48, %dma_wait3A_49] : memref<327680x16xf32, #tpu.memory_space<hbm>> -> memref<512x16xf32, #tpu.memory_space<hbm>>
      %dma_wait3A_51 = arith.constant 0 : i32
      %dma_wait3A_52 = arith.constant 0 : i32
      %dma_wait3A_53 = tpu.memref_slice %arg3[%dma_wait3A_51, %dma_wait3A_52] : memref<327680x16xf32, #tpu.memory_space<hbm>> -> memref<512x16xf32, #tpu.memory_space<hbm>>
      tpu.wait_dma2 semaphore(%arg16 : memref<!tpu.dma_semaphore, #tpu.memory_space<semaphore_mem>>) src(%dma_wait3A_53 : memref<512x16xf32, #tpu.memory_space<hbm>>) dst(%arg13 : memref<512x16xf32, #tpu.memory_space<vmem>>)
      %dma_start3A_54 = arith.constant 0 : i32
      %dma_start3A_55 = arith.constant 0 : i32
      %dma_start3A_56 = arith.constant 0 : i32
      %dma_start3A_57 = tpu.memref_slice %arg13[%dma_start3A_55, %dma_start3A_56] : memref<512x16xf32, #tpu.memory_space<vmem>> -> memref<128x16xf32, #tpu.memory_space<vmem>>
      %dma_start3A_58 = arith.constant 0 : i32
      %dma_start3A_59 = tpu.memref_slice %arg11[%dma_start3A_54, %dma_start3A_58] : memref<4x128xi32, #tpu.memory_space<vmem>> -> memref<1x128xi32, #tpu.memory_space<vmem>>
      %dma_start3A_60 = tpu.memref_squeeze %dma_start3A_59 : memref<1x128xi32, #tpu.memory_space<vmem>> -> memref<128xi32, #tpu.memory_space<vmem>>
      %dma_start3A_61 = arith.constant 0 : i32
      %dma_start3A_62 = arith.constant 0 : i32
      %dma_start3A_63 = tpu.memref_slice %arg9[%dma_start3A_61, %dma_start3A_62] : memref<10016x16xf32, #tpu.memory_space<vmem_shared>> -> memref<10016x16xf32, #tpu.memory_space<vmem_shared>>
      tpu.enqueue_indirect_dma source(%dma_start3A_57 : memref<128x16xf32, #tpu.memory_space<vmem>>) target(%dma_start3A_63 : memref<10016x16xf32, #tpu.memory_space<vmem_shared>>) offsets(%dma_start3A_60 : memref<128xi32, #tpu.memory_space<vmem>>) semaphore(%arg18 : memref<!tpu.dma_semaphore, #tpu.memory_space<semaphore_mem>>) {add = true}
      %dma_start3A_64 = arith.constant 0 : i32
      %dma_start3A_65 = arith.constant 0 : i32
      %dma_start3A_66 = tpu.memref_slice %arg11[%dma_start3A_64, %dma_start3A_65] : memref<4x128xi32, #tpu.memory_space<vmem>> -> memref<1x128xi32, #tpu.memory_space<vmem>>
      %dma_start3A_67 = tpu.memref_squeeze %dma_start3A_66 : memref<1x128xi32, #tpu.memory_space<vmem>> -> memref<128xi32, #tpu.memory_space<vmem>>
      %dma_start3A_68 = arith.constant 0 : i32
      %dma_start3A_69 = arith.constant 0 : i32
      %dma_start3A_70 = tpu.memref_slice %arg10[%dma_start3A_68, %dma_start3A_69] : memref<10016x8xf32, #tpu.memory_space<vmem_shared>> -> memref<10016x8xf32, #tpu.memory_space<vmem_shared>>
      tpu.enqueue_indirect_dma source(%arg15 : memref<128x8xf32, #tpu.memory_space<vmem>>) target(%dma_start3A_70 : memref<10016x8xf32, #tpu.memory_space<vmem_shared>>) offsets(%dma_start3A_67 : memref<128xi32, #tpu.memory_space<vmem>>) semaphore(%arg18 : memref<!tpu.dma_semaphore, #tpu.memory_space<semaphore_mem>>) {add = true}
      %dma_start3A_71 = arith.constant 1 : i32
      %dma_start3A_72 = arith.constant 128 : i32
      %dma_start3A_73 = arith.constant 0 : i32
      %dma_start3A_74 = tpu.memref_slice %arg13[%dma_start3A_72, %dma_start3A_73] : memref<512x16xf32, #tpu.memory_space<vmem>> -> memref<128x16xf32, #tpu.memory_space<vmem>>
      %dma_start3A_75 = arith.constant 0 : i32
      %dma_start3A_76 = tpu.memref_slice %arg11[%dma_start3A_71, %dma_start3A_75] : memref<4x128xi32, #tpu.memory_space<vmem>> -> memref<1x128xi32, #tpu.memory_space<vmem>>
      %dma_start3A_77 = tpu.memref_squeeze %dma_start3A_76 : memref<1x128xi32, #tpu.memory_space<vmem>> -> memref<128xi32, #tpu.memory_space<vmem>>
      %dma_start3A_78 = arith.constant 0 : i32
      %dma_start3A_79 = arith.constant 0 : i32
      %dma_start3A_80 = tpu.memref_slice %arg9[%dma_start3A_78, %dma_start3A_79] : memref<10016x16xf32, #tpu.memory_space<vmem_shared>> -> memref<10016x16xf32, #tpu.memory_space<vmem_shared>>
      tpu.enqueue_indirect_dma source(%dma_start3A_74 : memref<128x16xf32, #tpu.memory_space<vmem>>) target(%dma_start3A_80 : memref<10016x16xf32, #tpu.memory_space<vmem_shared>>) offsets(%dma_start3A_77 : memref<128xi32, #tpu.memory_space<vmem>>) semaphore(%arg18 : memref<!tpu.dma_semaphore, #tpu.memory_space<semaphore_mem>>) {add = true}
      %dma_start3A_81 = arith.constant 1 : i32
      %dma_start3A_82 = arith.constant 0 : i32
      %dma_start3A_83 = tpu.memref_slice %arg11[%dma_start3A_81, %dma_start3A_82] : memref<4x128xi32, #tpu.memory_space<vmem>> -> memref<1x128xi32, #tpu.memory_space<vmem>>
      %dma_start3A_84 = tpu.memref_squeeze %dma_start3A_83 : memref<1x128xi32, #tpu.memory_space<vmem>> -> memref<128xi32, #tpu.memory_space<vmem>>
      %dma_start3A_85 = arith.constant 0 : i32
      %dma_start3A_86 = arith.constant 0 : i32
      %dma_start3A_87 = tpu.memref_slice %arg10[%dma_start3A_85, %dma_start3A_86] : memref<10016x8xf32, #tpu.memory_space<vmem_shared>> -> memref<10016x8xf32, #tpu.memory_space<vmem_shared>>
      tpu.enqueue_indirect_dma source(%arg15 : memref<128x8xf32, #tpu.memory_space<vmem>>) target(%dma_start3A_87 : memref<10016x8xf32, #tpu.memory_space<vmem_shared>>) offsets(%dma_start3A_84 : memref<128xi32, #tpu.memory_space<vmem>>) semaphore(%arg18 : memref<!tpu.dma_semaphore, #tpu.memory_space<semaphore_mem>>) {add = true}
      %dma_start3A_88 = arith.constant 2 : i32
      %dma_start3A_89 = arith.constant 256 : i32
      %dma_start3A_90 = arith.constant 0 : i32
      %dma_start3A_91 = tpu.memref_slice %arg13[%dma_start3A_89, %dma_start3A_90] : memref<512x16xf32, #tpu.memory_space<vmem>> -> memref<128x16xf32, #tpu.memory_space<vmem>>
      %dma_start3A_92 = arith.constant 0 : i32
      %dma_start3A_93 = tpu.memref_slice %arg11[%dma_start3A_88, %dma_start3A_92] : memref<4x128xi32, #tpu.memory_space<vmem>> -> memref<1x128xi32, #tpu.memory_space<vmem>>
      %dma_start3A_94 = tpu.memref_squeeze %dma_start3A_93 : memref<1x128xi32, #tpu.memory_space<vmem>> -> memref<128xi32, #tpu.memory_space<vmem>>
      %dma_start3A_95 = arith.constant 0 : i32
      %dma_start3A_96 = arith.constant 0 : i32
      %dma_start3A_97 = tpu.memref_slice %arg9[%dma_start3A_95, %dma_start3A_96] : memref<10016x16xf32, #tpu.memory_space<vmem_shared>> -> memref<10016x16xf32, #tpu.memory_space<vmem_shared>>
      tpu.enqueue_indirect_dma source(%dma_start3A_91 : memref<128x16xf32, #tpu.memory_space<vmem>>) target(%dma_start3A_97 : memref<10016x16xf32, #tpu.memory_space<vmem_shared>>) offsets(%dma_start3A_94 : memref<128xi32, #tpu.memory_space<vmem>>) semaphore(%arg18 : memref<!tpu.dma_semaphore, #tpu.memory_space<semaphore_mem>>) {add = true}
      %dma_start3A_98 = arith.constant 2 : i32
      %dma_start3A_99 = arith.constant 0 : i32
      %dma_start3A_100 = tpu.memref_slice %arg11[%dma_start3A_98, %dma_start3A_99] : memref<4x128xi32, #tpu.memory_space<vmem>> -> memref<1x128xi32, #tpu.memory_space<vmem>>
      %dma_start3A_101 = tpu.memref_squeeze %dma_start3A_100 : memref<1x128xi32, #tpu.memory_space<vmem>> -> memref<128xi32, #tpu.memory_space<vmem>>
      %dma_start3A_102 = arith.constant 0 : i32
      %dma_start3A_103 = arith.constant 0 : i32
      %dma_start3A_104 = tpu.memref_slice %arg10[%dma_start3A_102, %dma_start3A_103] : memref<10016x8xf32, #tpu.memory_space<vmem_shared>> -> memref<10016x8xf32, #tpu.memory_space<vmem_shared>>
      tpu.enqueue_indirect_dma source(%arg15 : memref<128x8xf32, #tpu.memory_space<vmem>>) target(%dma_start3A_104 : memref<10016x8xf32, #tpu.memory_space<vmem_shared>>) offsets(%dma_start3A_101 : memref<128xi32, #tpu.memory_space<vmem>>) semaphore(%arg18 : memref<!tpu.dma_semaphore, #tpu.memory_space<semaphore_mem>>) {add = true}
      %dma_start3A_105 = arith.constant 3 : i32
      %dma_start3A_106 = arith.constant 384 : i32
      %dma_start3A_107 = arith.constant 0 : i32
      %dma_start3A_108 = tpu.memref_slice %arg13[%dma_start3A_106, %dma_start3A_107] : memref<512x16xf32, #tpu.memory_space<vmem>> -> memref<128x16xf32, #tpu.memory_space<vmem>>
      %dma_start3A_109 = arith.constant 0 : i32
      %dma_start3A_110 = tpu.memref_slice %arg11[%dma_start3A_105, %dma_start3A_109] : memref<4x128xi32, #tpu.memory_space<vmem>> -> memref<1x128xi32, #tpu.memory_space<vmem>>
      %dma_start3A_111 = tpu.memref_squeeze %dma_start3A_110 : memref<1x128xi32, #tpu.memory_space<vmem>> -> memref<128xi32, #tpu.memory_space<vmem>>
      %dma_start3A_112 = arith.constant 0 : i32
      %dma_start3A_113 = arith.constant 0 : i32
      %dma_start3A_114 = tpu.memref_slice %arg9[%dma_start3A_112, %dma_start3A_113] : memref<10016x16xf32, #tpu.memory_space<vmem_shared>> -> memref<10016x16xf32, #tpu.memory_space<vmem_shared>>
      tpu.enqueue_indirect_dma source(%dma_start3A_108 : memref<128x16xf32, #tpu.memory_space<vmem>>) target(%dma_start3A_114 : memref<10016x16xf32, #tpu.memory_space<vmem_shared>>) offsets(%dma_start3A_111 : memref<128xi32, #tpu.memory_space<vmem>>) semaphore(%arg18 : memref<!tpu.dma_semaphore, #tpu.memory_space<semaphore_mem>>) {add = true}
      %dma_start3A_115 = arith.constant 3 : i32
      %dma_start3A_116 = arith.constant 0 : i32
      %dma_start3A_117 = tpu.memref_slice %arg11[%dma_start3A_115, %dma_start3A_116] : memref<4x128xi32, #tpu.memory_space<vmem>> -> memref<1x128xi32, #tpu.memory_space<vmem>>
      %dma_start3A_118 = tpu.memref_squeeze %dma_start3A_117 : memref<1x128xi32, #tpu.memory_space<vmem>> -> memref<128xi32, #tpu.memory_space<vmem>>
      %dma_start3A_119 = arith.constant 0 : i32
      %dma_start3A_120 = arith.constant 0 : i32
      %dma_start3A_121 = tpu.memref_slice %arg10[%dma_start3A_119, %dma_start3A_120] : memref<10016x8xf32, #tpu.memory_space<vmem_shared>> -> memref<10016x8xf32, #tpu.memory_space<vmem_shared>>
      tpu.enqueue_indirect_dma source(%arg15 : memref<128x8xf32, #tpu.memory_space<vmem>>) target(%dma_start3A_121 : memref<10016x8xf32, #tpu.memory_space<vmem_shared>>) offsets(%dma_start3A_118 : memref<128xi32, #tpu.memory_space<vmem>>) semaphore(%arg18 : memref<!tpu.dma_semaphore, #tpu.memory_space<semaphore_mem>>) {add = true}
      %dma_wait3A_122 = arith.constant 0 : i32
      %dma_wait3A_123 = arith.constant 0 : i32
      %dma_wait3A_124 = tpu.memref_slice %arg2[%dma_wait3A_122, %dma_wait3A_123] : memref<2560x128xi32, #tpu.memory_space<hbm>> -> memref<4x128xi32, #tpu.memory_space<hbm>>
      %dma_wait3A_125 = arith.constant 0 : i32
      %dma_wait3A_126 = arith.constant 0 : i32
      %dma_wait3A_127 = tpu.memref_slice %arg2[%dma_wait3A_125, %dma_wait3A_126] : memref<2560x128xi32, #tpu.memory_space<hbm>> -> memref<4x128xi32, #tpu.memory_space<hbm>>
      tpu.wait_dma2 semaphore(%arg17 : memref<!tpu.dma_semaphore, #tpu.memory_space<semaphore_mem>>) src(%dma_wait3A_127 : memref<4x128xi32, #tpu.memory_space<hbm>>) dst(%arg12 : memref<4x128xi32, #tpu.memory_space<vmem>>)
      %dma_wait3A_128 = arith.constant 0 : i32
      %dma_wait3A_129 = arith.constant 0 : i32
      %dma_wait3A_130 = tpu.memref_slice %arg3[%dma_wait3A_128, %dma_wait3A_129] : memref<327680x16xf32, #tpu.memory_space<hbm>> -> memref<512x16xf32, #tpu.memory_space<hbm>>
      %dma_wait3A_131 = arith.constant 0 : i32
      %dma_wait3A_132 = arith.constant 0 : i32
      %dma_wait3A_133 = tpu.memref_slice %arg3[%dma_wait3A_131, %dma_wait3A_132] : memref<327680x16xf32, #tpu.memory_space<hbm>> -> memref<512x16xf32, #tpu.memory_space<hbm>>
      tpu.wait_dma2 semaphore(%arg17 : memref<!tpu.dma_semaphore, #tpu.memory_space<semaphore_mem>>) src(%dma_wait3A_133 : memref<512x16xf32, #tpu.memory_space<hbm>>) dst(%arg14 : memref<512x16xf32, #tpu.memory_space<vmem>>)
      %dma_start3A_134 = arith.constant 0 : i32
      %dma_start3A_135 = arith.constant 0 : i32
      %dma_start3A_136 = arith.constant 0 : i32
      %dma_start3A_137 = tpu.memref_slice %arg14[%dma_start3A_135, %dma_start3A_136] : memref<512x16xf32, #tpu.memory_space<vmem>> -> memref<128x16xf32, #tpu.memory_space<vmem>>
      %dma_start3A_138 = arith.constant 0 : i32
      %dma_start3A_139 = tpu.memref_slice %arg12[%dma_start3A_134, %dma_start3A_138] : memref<4x128xi32, #tpu.memory_space<vmem>> -> memref<1x128xi32, #tpu.memory_space<vmem>>
      %dma_start3A_140 = tpu.memref_squeeze %dma_start3A_139 : memref<1x128xi32, #tpu.memory_space<vmem>> -> memref<128xi32, #tpu.memory_space<vmem>>
      %dma_start3A_141 = arith.constant 0 : i32
      %dma_start3A_142 = arith.constant 0 : i32
      %dma_start3A_143 = tpu.memref_slice %arg9[%dma_start3A_141, %dma_start3A_142] : memref<10016x16xf32, #tpu.memory_space<vmem_shared>> -> memref<10016x16xf32, #tpu.memory_space<vmem_shared>>
      tpu.enqueue_indirect_dma source(%dma_start3A_137 : memref<128x16xf32, #tpu.memory_space<vmem>>) target(%dma_start3A_143 : memref<10016x16xf32, #tpu.memory_space<vmem_shared>>) offsets(%dma_start3A_140 : memref<128xi32, #tpu.memory_space<vmem>>) semaphore(%arg18 : memref<!tpu.dma_semaphore, #tpu.memory_space<semaphore_mem>>) {add = true}
      %dma_start3A_144 = arith.constant 0 : i32
      %dma_start3A_145 = arith.constant 0 : i32
      %dma_start3A_146 = tpu.memref_slice %arg12[%dma_start3A_144, %dma_start3A_145] : memref<4x128xi32, #tpu.memory_space<vmem>> -> memref<1x128xi32, #tpu.memory_space<vmem>>
      %dma_start3A_147 = tpu.memref_squeeze %dma_start3A_146 : memref<1x128xi32, #tpu.memory_space<vmem>> -> memref<128xi32, #tpu.memory_space<vmem>>
      %dma_start3A_148 = arith.constant 0 : i32
      %dma_start3A_149 = arith.constant 0 : i32
      %dma_start3A_150 = tpu.memref_slice %arg10[%dma_start3A_148, %dma_start3A_149] : memref<10016x8xf32, #tpu.memory_space<vmem_shared>> -> memref<10016x8xf32, #tpu.memory_space<vmem_shared>>
      tpu.enqueue_indirect_dma source(%arg15 : memref<128x8xf32, #tpu.memory_space<vmem>>) target(%dma_start3A_150 : memref<10016x8xf32, #tpu.memory_space<vmem_shared>>) offsets(%dma_start3A_147 : memref<128xi32, #tpu.memory_space<vmem>>) semaphore(%arg18 : memref<!tpu.dma_semaphore, #tpu.memory_space<semaphore_mem>>) {add = true}
      %dma_start3A_151 = arith.constant 1 : i32
      %dma_start3A_152 = arith.constant 128 : i32
      %dma_start3A_153 = arith.constant 0 : i32
      %dma_start3A_154 = tpu.memref_slice %arg14[%dma_start3A_152, %dma_start3A_153] : memref<512x16xf32, #tpu.memory_space<vmem>> -> memref<128x16xf32, #tpu.memory_space<vmem>>
      %dma_start3A_155 = arith.constant 0 : i32
      %dma_start3A_156 = tpu.memref_slice %arg12[%dma_start3A_151, %dma_start3A_155] : memref<4x128xi32, #tpu.memory_space<vmem>> -> memref<1x128xi32, #tpu.memory_space<vmem>>
      %dma_start3A_157 = tpu.memref_squeeze %dma_start3A_156 : memref<1x128xi32, #tpu.memory_space<vmem>> -> memref<128xi32, #tpu.memory_space<vmem>>
      %dma_start3A_158 = arith.constant 0 : i32
      %dma_start3A_159 = arith.constant 0 : i32
      %dma_start3A_160 = tpu.memref_slice %arg9[%dma_start3A_158, %dma_start3A_159] : memref<10016x16xf32, #tpu.memory_space<vmem_shared>> -> memref<10016x16xf32, #tpu.memory_space<vmem_shared>>
      tpu.enqueue_indirect_dma source(%dma_start3A_154 : memref<128x16xf32, #tpu.memory_space<vmem>>) target(%dma_start3A_160 : memref<10016x16xf32, #tpu.memory_space<vmem_shared>>) offsets(%dma_start3A_157 : memref<128xi32, #tpu.memory_space<vmem>>) semaphore(%arg18 : memref<!tpu.dma_semaphore, #tpu.memory_space<semaphore_mem>>) {add = true}
      %dma_start3A_161 = arith.constant 1 : i32
      %dma_start3A_162 = arith.constant 0 : i32
      %dma_start3A_163 = tpu.memref_slice %arg12[%dma_start3A_161, %dma_start3A_162] : memref<4x128xi32, #tpu.memory_space<vmem>> -> memref<1x128xi32, #tpu.memory_space<vmem>>
      %dma_start3A_164 = tpu.memref_squeeze %dma_start3A_163 : memref<1x128xi32, #tpu.memory_space<vmem>> -> memref<128xi32, #tpu.memory_space<vmem>>
      %dma_start3A_165 = arith.constant 0 : i32
      %dma_start3A_166 = arith.constant 0 : i32
      %dma_start3A_167 = tpu.memref_slice %arg10[%dma_start3A_165, %dma_start3A_166] : memref<10016x8xf32, #tpu.memory_space<vmem_shared>> -> memref<10016x8xf32, #tpu.memory_space<vmem_shared>>
      tpu.enqueue_indirect_dma source(%arg15 : memref<128x8xf32, #tpu.memory_space<vmem>>) target(%dma_start3A_167 : memref<10016x8xf32, #tpu.memory_space<vmem_shared>>) offsets(%dma_start3A_164 : memref<128xi32, #tpu.memory_space<vmem>>) semaphore(%arg18 : memref<!tpu.dma_semaphore, #tpu.memory_space<semaphore_mem>>) {add = true}
      %dma_start3A_168 = arith.constant 2 : i32
      %dma_start3A_169 = arith.constant 256 : i32
      %dma_start3A_170 = arith.constant 0 : i32
      %dma_start3A_171 = tpu.memref_slice %arg14[%dma_start3A_169, %dma_start3A_170] : memref<512x16xf32, #tpu.memory_space<vmem>> -> memref<128x16xf32, #tpu.memory_space<vmem>>
      %dma_start3A_172 = arith.constant 0 : i32
      %dma_start3A_173 = tpu.memref_slice %arg12[%dma_start3A_168, %dma_start3A_172] : memref<4x128xi32, #tpu.memory_space<vmem>> -> memref<1x128xi32, #tpu.memory_space<vmem>>
      %dma_start3A_174 = tpu.memref_squeeze %dma_start3A_173 : memref<1x128xi32, #tpu.memory_space<vmem>> -> memref<128xi32, #tpu.memory_space<vmem>>
      %dma_start3A_175 = arith.constant 0 : i32
      %dma_start3A_176 = arith.constant 0 : i32
      %dma_start3A_177 = tpu.memref_slice %arg9[%dma_start3A_175, %dma_start3A_176] : memref<10016x16xf32, #tpu.memory_space<vmem_shared>> -> memref<10016x16xf32, #tpu.memory_space<vmem_shared>>
      tpu.enqueue_indirect_dma source(%dma_start3A_171 : memref<128x16xf32, #tpu.memory_space<vmem>>) target(%dma_start3A_177 : memref<10016x16xf32, #tpu.memory_space<vmem_shared>>) offsets(%dma_start3A_174 : memref<128xi32, #tpu.memory_space<vmem>>) semaphore(%arg18 : memref<!tpu.dma_semaphore, #tpu.memory_space<semaphore_mem>>) {add = true}
      %dma_start3A_178 = arith.constant 2 : i32
      %dma_start3A_179 = arith.constant 0 : i32
      %dma_start3A_180 = tpu.memref_slice %arg12[%dma_start3A_178, %dma_start3A_179] : memref<4x128xi32, #tpu.memory_space<vmem>> -> memref<1x128xi32, #tpu.memory_space<vmem>>
      %dma_start3A_181 = tpu.memref_squeeze %dma_start3A_180 : memref<1x128xi32, #tpu.memory_space<vmem>> -> memref<128xi32, #tpu.memory_space<vmem>>
      %dma_start3A_182 = arith.constant 0 : i32
      %dma_start3A_183 = arith.constant 0 : i32
      %dma_start3A_184 = tpu.memref_slice %arg10[%dma_start3A_182, %dma_start3A_183] : memref<10016x8xf32, #tpu.memory_space<vmem_shared>> -> memref<10016x8xf32, #tpu.memory_space<vmem_shared>>
      tpu.enqueue_indirect_dma source(%arg15 : memref<128x8xf32, #tpu.memory_space<vmem>>) target(%dma_start3A_184 : memref<10016x8xf32, #tpu.memory_space<vmem_shared>>) offsets(%dma_start3A_181 : memref<128xi32, #tpu.memory_space<vmem>>) semaphore(%arg18 : memref<!tpu.dma_semaphore, #tpu.memory_space<semaphore_mem>>) {add = true}
      %dma_start3A_185 = arith.constant 3 : i32
      %dma_start3A_186 = arith.constant 384 : i32
      %dma_start3A_187 = arith.constant 0 : i32
      %dma_start3A_188 = tpu.memref_slice %arg14[%dma_start3A_186, %dma_start3A_187] : memref<512x16xf32, #tpu.memory_space<vmem>> -> memref<128x16xf32, #tpu.memory_space<vmem>>
      %dma_start3A_189 = arith.constant 0 : i32
      %dma_start3A_190 = tpu.memref_slice %arg12[%dma_start3A_185, %dma_start3A_189] : memref<4x128xi32, #tpu.memory_space<vmem>> -> memref<1x128xi32, #tpu.memory_space<vmem>>
      %dma_start3A_191 = tpu.memref_squeeze %dma_start3A_190 : memref<1x128xi32, #tpu.memory_space<vmem>> -> memref<128xi32, #tpu.memory_space<vmem>>
      %dma_start3A_192 = arith.constant 0 : i32
      %dma_start3A_193 = arith.constant 0 : i32
      %dma_start3A_194 = tpu.memref_slice %arg9[%dma_start3A_192, %dma_start3A_193] : memref<10016x16xf32, #tpu.memory_space<vmem_shared>> -> memref<10016x16xf32, #tpu.memory_space<vmem_shared>>
      tpu.enqueue_indirect_dma source(%dma_start3A_188 : memref<128x16xf32, #tpu.memory_space<vmem>>) target(%dma_start3A_194 : memref<10016x16xf32, #tpu.memory_space<vmem_shared>>) offsets(%dma_start3A_191 : memref<128xi32, #tpu.memory_space<vmem>>) semaphore(%arg18 : memref<!tpu.dma_semaphore, #tpu.memory_space<semaphore_mem>>) {add = true}
      %dma_start3A_195 = arith.constant 3 : i32
      %dma_start3A_196 = arith.constant 0 : i32
      %dma_start3A_197 = tpu.memref_slice %arg12[%dma_start3A_195, %dma_start3A_196] : memref<4x128xi32, #tpu.memory_space<vmem>> -> memref<1x128xi32, #tpu.memory_space<vmem>>
      %dma_start3A_198 = tpu.memref_squeeze %dma_start3A_197 : memref<1x128xi32, #tpu.memory_space<vmem>> -> memref<128xi32, #tpu.memory_space<vmem>>
      %dma_start3A_199 = arith.constant 0 : i32
      %dma_start3A_200 = arith.constant 0 : i32
      %dma_start3A_201 = tpu.memref_slice %arg10[%dma_start3A_199, %dma_start3A_200] : memref<10016x8xf32, #tpu.memory_space<vmem_shared>> -> memref<10016x8xf32, #tpu.memory_space<vmem_shared>>
      tpu.enqueue_indirect_dma source(%arg15 : memref<128x8xf32, #tpu.memory_space<vmem>>) target(%dma_start3A_201 : memref<10016x8xf32, #tpu.memory_space<vmem_shared>>) offsets(%dma_start3A_198 : memref<128xi32, #tpu.memory_space<vmem>>) semaphore(%arg18 : memref<!tpu.dma_semaphore, #tpu.memory_space<semaphore_mem>>) {add = true}
      %dma_wait3A_202 = arith.constant 0 : i32
      %dma_wait3A_203 = arith.constant 0 : i32
      %dma_wait3A_204 = arith.constant 0 : i32
      %dma_wait3A_205 = tpu.memref_slice %arg14[%dma_wait3A_203, %dma_wait3A_204] : memref<512x16xf32, #tpu.memory_space<vmem>> -> memref<128x16xf32, #tpu.memory_space<vmem>>
      %dma_wait3A_206 = arith.constant 0 : i32
      %dma_wait3A_207 = tpu.memref_slice %arg12[%dma_wait3A_202, %dma_wait3A_206] : memref<4x128xi32, #tpu.memory_space<vmem>> -> memref<1x128xi32, #tpu.memory_space<vmem>>
      %dma_wait3A_208 = tpu.memref_squeeze %dma_wait3A_207 : memref<1x128xi32, #tpu.memory_space<vmem>> -> memref<128xi32, #tpu.memory_space<vmem>>
      %dma_wait3A_209 = arith.constant 0 : i32
      %dma_wait3A_210 = arith.constant 0 : i32
      %dma_wait3A_211 = tpu.memref_slice %arg9[%dma_wait3A_209, %dma_wait3A_210] : memref<10016x16xf32, #tpu.memory_space<vmem_shared>> -> memref<10016x16xf32, #tpu.memory_space<vmem_shared>>
      tpu.wait_indirect_dma semaphore(%arg18 : memref<!tpu.dma_semaphore, #tpu.memory_space<semaphore_mem>>) src(%dma_wait3A_205 : memref<128x16xf32, #tpu.memory_space<vmem>>) dst(%dma_wait3A_211 : memref<10016x16xf32, #tpu.memory_space<vmem_shared>>)
      %dma_wait3A_212 = arith.constant 0 : i32
      %dma_wait3A_213 = arith.constant 0 : i32
      %dma_wait3A_214 = tpu.memref_slice %arg12[%dma_wait3A_212, %dma_wait3A_213] : memref<4x128xi32, #tpu.memory_space<vmem>> -> memref<1x128xi32, #tpu.memory_space<vmem>>
      %dma_wait3A_215 = tpu.memref_squeeze %dma_wait3A_214 : memref<1x128xi32, #tpu.memory_space<vmem>> -> memref<128xi32, #tpu.memory_space<vmem>>
      %dma_wait3A_216 = arith.constant 0 : i32
      %dma_wait3A_217 = arith.constant 0 : i32
      %dma_wait3A_218 = tpu.memref_slice %arg10[%dma_wait3A_216, %dma_wait3A_217] : memref<10016x8xf32, #tpu.memory_space<vmem_shared>> -> memref<10016x8xf32, #tpu.memory_space<vmem_shared>>
      tpu.wait_indirect_dma semaphore(%arg18 : memref<!tpu.dma_semaphore, #tpu.memory_space<semaphore_mem>>) src(%arg15 : memref<128x8xf32, #tpu.memory_space<vmem>>) dst(%dma_wait3A_218 : memref<10016x8xf32, #tpu.memory_space<vmem_shared>>)
      %dma_wait3A_219 = arith.constant 1 : i32
      %dma_wait3A_220 = arith.constant 128 : i32
      %dma_wait3A_221 = arith.constant 0 : i32
      %dma_wait3A_222 = tpu.memref_slice %arg14[%dma_wait3A_220, %dma_wait3A_221] : memref<512x16xf32, #tpu.memory_space<vmem>> -> memref<128x16xf32, #tpu.memory_space<vmem>>
      %dma_wait3A_223 = arith.constant 0 : i32
      %dma_wait3A_224 = tpu.memref_slice %arg12[%dma_wait3A_219, %dma_wait3A_223] : memref<4x128xi32, #tpu.memory_space<vmem>> -> memref<1x128xi32, #tpu.memory_space<vmem>>
      %dma_wait3A_225 = tpu.memref_squeeze %dma_wait3A_224 : memref<1x128xi32, #tpu.memory_space<vmem>> -> memref<128xi32, #tpu.memory_space<vmem>>
      %dma_wait3A_226 = arith.constant 0 : i32
      %dma_wait3A_227 = arith.constant 0 : i32
      %dma_wait3A_228 = tpu.memref_slice %arg9[%dma_wait3A_226, %dma_wait3A_227] : memref<10016x16xf32, #tpu.memory_space<vmem_shared>> -> memref<10016x16xf32, #tpu.memory_space<vmem_shared>>
      tpu.wait_indirect_dma semaphore(%arg18 : memref<!tpu.dma_semaphore, #tpu.memory_space<semaphore_mem>>) src(%dma_wait3A_222 : memref<128x16xf32, #tpu.memory_space<vmem>>) dst(%dma_wait3A_228 : memref<10016x16xf32, #tpu.memory_space<vmem_shared>>)
      %dma_wait3A_229 = arith.constant 1 : i32
      %dma_wait3A_230 = arith.constant 0 : i32
      %dma_wait3A_231 = tpu.memref_slice %arg12[%dma_wait3A_229, %dma_wait3A_230] : memref<4x128xi32, #tpu.memory_space<vmem>> -> memref<1x128xi32, #tpu.memory_space<vmem>>
      %dma_wait3A_232 = tpu.memref_squeeze %dma_wait3A_231 : memref<1x128xi32, #tpu.memory_space<vmem>> -> memref<128xi32, #tpu.memory_space<vmem>>
      %dma_wait3A_233 = arith.constant 0 : i32
      %dma_wait3A_234 = arith.constant 0 : i32
      %dma_wait3A_235 = tpu.memref_slice %arg10[%dma_wait3A_233, %dma_wait3A_234] : memref<10016x8xf32, #tpu.memory_space<vmem_shared>> -> memref<10016x8xf32, #tpu.memory_space<vmem_shared>>
      tpu.wait_indirect_dma semaphore(%arg18 : memref<!tpu.dma_semaphore, #tpu.memory_space<semaphore_mem>>) src(%arg15 : memref<128x8xf32, #tpu.memory_space<vmem>>) dst(%dma_wait3A_235 : memref<10016x8xf32, #tpu.memory_space<vmem_shared>>)
      %dma_wait3A_236 = arith.constant 2 : i32
      %dma_wait3A_237 = arith.constant 256 : i32
      %dma_wait3A_238 = arith.constant 0 : i32
      %dma_wait3A_239 = tpu.memref_slice %arg14[%dma_wait3A_237, %dma_wait3A_238] : memref<512x16xf32, #tpu.memory_space<vmem>> -> memref<128x16xf32, #tpu.memory_space<vmem>>
      %dma_wait3A_240 = arith.constant 0 : i32
      %dma_wait3A_241 = tpu.memref_slice %arg12[%dma_wait3A_236, %dma_wait3A_240] : memref<4x128xi32, #tpu.memory_space<vmem>> -> memref<1x128xi32, #tpu.memory_space<vmem>>
      %dma_wait3A_242 = tpu.memref_squeeze %dma_wait3A_241 : memref<1x128xi32, #tpu.memory_space<vmem>> -> memref<128xi32, #tpu.memory_space<vmem>>
      %dma_wait3A_243 = arith.constant 0 : i32
      %dma_wait3A_244 = arith.constant 0 : i32
      %dma_wait3A_245 = tpu.memref_slice %arg9[%dma_wait3A_243, %dma_wait3A_244] : memref<10016x16xf32, #tpu.memory_space<vmem_shared>> -> memref<10016x16xf32, #tpu.memory_space<vmem_shared>>
      tpu.wait_indirect_dma semaphore(%arg18 : memref<!tpu.dma_semaphore, #tpu.memory_space<semaphore_mem>>) src(%dma_wait3A_239 : memref<128x16xf32, #tpu.memory_space<vmem>>) dst(%dma_wait3A_245 : memref<10016x16xf32, #tpu.memory_space<vmem_shared>>)
      %dma_wait3A_246 = arith.constant 2 : i32
      %dma_wait3A_247 = arith.constant 0 : i32
      %dma_wait3A_248 = tpu.memref_slice %arg12[%dma_wait3A_246, %dma_wait3A_247] : memref<4x128xi32, #tpu.memory_space<vmem>> -> memref<1x128xi32, #tpu.memory_space<vmem>>
      %dma_wait3A_249 = tpu.memref_squeeze %dma_wait3A_248 : memref<1x128xi32, #tpu.memory_space<vmem>> -> memref<128xi32, #tpu.memory_space<vmem>>
      %dma_wait3A_250 = arith.constant 0 : i32
      %dma_wait3A_251 = arith.constant 0 : i32
      %dma_wait3A_252 = tpu.memref_slice %arg10[%dma_wait3A_250, %dma_wait3A_251] : memref<10016x8xf32, #tpu.memory_space<vmem_shared>> -> memref<10016x8xf32, #tpu.memory_space<vmem_shared>>
      tpu.wait_indirect_dma semaphore(%arg18 : memref<!tpu.dma_semaphore, #tpu.memory_space<semaphore_mem>>) src(%arg15 : memref<128x8xf32, #tpu.memory_space<vmem>>) dst(%dma_wait3A_252 : memref<10016x8xf32, #tpu.memory_space<vmem_shared>>)
      %dma_wait3A_253 = arith.constant 3 : i32
      %dma_wait3A_254 = arith.constant 384 : i32
      %dma_wait3A_255 = arith.constant 0 : i32
      %dma_wait3A_256 = tpu.memref_slice %arg14[%dma_wait3A_254, %dma_wait3A_255] : memref<512x16xf32, #tpu.memory_space<vmem>> -> memref<128x16xf32, #tpu.memory_space<vmem>>
      %dma_wait3A_257 = arith.constant 0 : i32
      %dma_wait3A_258 = tpu.memref_slice %arg12[%dma_wait3A_253, %dma_wait3A_257] : memref<4x128xi32, #tpu.memory_space<vmem>> -> memref<1x128xi32, #tpu.memory_space<vmem>>
      %dma_wait3A_259 = tpu.memref_squeeze %dma_wait3A_258 : memref<1x128xi32, #tpu.memory_space<vmem>> -> memref<128xi32, #tpu.memory_space<vmem>>
      %dma_wait3A_260 = arith.constant 0 : i32
      %dma_wait3A_261 = arith.constant 0 : i32
      %dma_wait3A_262 = tpu.memref_slice %arg9[%dma_wait3A_260, %dma_wait3A_261] : memref<10016x16xf32, #tpu.memory_space<vmem_shared>> -> memref<10016x16xf32, #tpu.memory_space<vmem_shared>>
      tpu.wait_indirect_dma semaphore(%arg18 : memref<!tpu.dma_semaphore, #tpu.memory_space<semaphore_mem>>) src(%dma_wait3A_256 : memref<128x16xf32, #tpu.memory_space<vmem>>) dst(%dma_wait3A_262 : memref<10016x16xf32, #tpu.memory_space<vmem_shared>>)
      %dma_wait3A_263 = arith.constant 3 : i32
      %dma_wait3A_264 = arith.constant 0 : i32
      %dma_wait3A_265 = tpu.memref_slice %arg12[%dma_wait3A_263, %dma_wait3A_264] : memref<4x128xi32, #tpu.memory_space<vmem>> -> memref<1x128xi32, #tpu.memory_space<vmem>>
      %dma_wait3A_266 = tpu.memref_squeeze %dma_wait3A_265 : memref<1x128xi32, #tpu.memory_space<vmem>> -> memref<128xi32, #tpu.memory_space<vmem>>
      %dma_wait3A_267 = arith.constant 0 : i32
      %dma_wait3A_268 = arith.constant 0 : i32
      %dma_wait3A_269 = tpu.memref_slice %arg10[%dma_wait3A_267, %dma_wait3A_268] : memref<10016x8xf32, #tpu.memory_space<vmem_shared>> -> memref<10016x8xf32, #tpu.memory_space<vmem_shared>>
      tpu.wait_indirect_dma semaphore(%arg18 : memref<!tpu.dma_semaphore, #tpu.memory_space<semaphore_mem>>) src(%arg15 : memref<128x8xf32, #tpu.memory_space<vmem>>) dst(%dma_wait3A_269 : memref<10016x8xf32, #tpu.memory_space<vmem_shared>>)
      %dma_wait3A_270 = arith.constant 0 : i32
      %dma_wait3A_271 = arith.constant 0 : i32
      %dma_wait3A_272 = arith.constant 0 : i32
      %dma_wait3A_273 = tpu.memref_slice %arg13[%dma_wait3A_271, %dma_wait3A_272] : memref<512x16xf32, #tpu.memory_space<vmem>> -> memref<128x16xf32, #tpu.memory_space<vmem>>
      %dma_wait3A_274 = arith.constant 0 : i32
      %dma_wait3A_275 = tpu.memref_slice %arg11[%dma_wait3A_270, %dma_wait3A_274] : memref<4x128xi32, #tpu.memory_space<vmem>> -> memref<1x128xi32, #tpu.memory_space<vmem>>
      %dma_wait3A_276 = tpu.memref_squeeze %dma_wait3A_275 : memref<1x128xi32, #tpu.memory_space<vmem>> -> memref<128xi32, #tpu.memory_space<vmem>>
      %dma_wait3A_277 = arith.constant 0 : i32
      %dma_wait3A_278 = arith.constant 0 : i32
      %dma_wait3A_279 = tpu.memref_slice %arg9[%dma_wait3A_277, %dma_wait3A_278] : memref<10016x16xf32, #tpu.memory_space<vmem_shared>> -> memref<10016x16xf32, #tpu.memory_space<vmem_shared>>
      tpu.wait_indirect_dma semaphore(%arg18 : memref<!tpu.dma_semaphore, #tpu.memory_space<semaphore_mem>>) src(%dma_wait3A_273 : memref<128x16xf32, #tpu.memory_space<vmem>>) dst(%dma_wait3A_279 : memref<10016x16xf32, #tpu.memory_space<vmem_shared>>)
      %dma_wait3A_280 = arith.constant 0 : i32
      %dma_wait3A_281 = arith.constant 0 : i32
      %dma_wait3A_282 = tpu.memref_slice %arg11[%dma_wait3A_280, %dma_wait3A_281] : memref<4x128xi32, #tpu.memory_space<vmem>> -> memref<1x128xi32, #tpu.memory_space<vmem>>
      %dma_wait3A_283 = tpu.memref_squeeze %dma_wait3A_282 : memref<1x128xi32, #tpu.memory_space<vmem>> -> memref<128xi32, #tpu.memory_space<vmem>>
      %dma_wait3A_284 = arith.constant 0 : i32
      %dma_wait3A_285 = arith.constant 0 : i32
      %dma_wait3A_286 = tpu.memref_slice %arg10[%dma_wait3A_284, %dma_wait3A_285] : memref<10016x8xf32, #tpu.memory_space<vmem_shared>> -> memref<10016x8xf32, #tpu.memory_space<vmem_shared>>
      tpu.wait_indirect_dma semaphore(%arg18 : memref<!tpu.dma_semaphore, #tpu.memory_space<semaphore_mem>>) src(%arg15 : memref<128x8xf32, #tpu.memory_space<vmem>>) dst(%dma_wait3A_286 : memref<10016x8xf32, #tpu.memory_space<vmem_shared>>)
      %dma_wait3A_287 = arith.constant 1 : i32
      %dma_wait3A_288 = arith.constant 128 : i32
      %dma_wait3A_289 = arith.constant 0 : i32
      %dma_wait3A_290 = tpu.memref_slice %arg13[%dma_wait3A_288, %dma_wait3A_289] : memref<512x16xf32, #tpu.memory_space<vmem>> -> memref<128x16xf32, #tpu.memory_space<vmem>>
      %dma_wait3A_291 = arith.constant 0 : i32
      %dma_wait3A_292 = tpu.memref_slice %arg11[%dma_wait3A_287, %dma_wait3A_291] : memref<4x128xi32, #tpu.memory_space<vmem>> -> memref<1x128xi32, #tpu.memory_space<vmem>>
      %dma_wait3A_293 = tpu.memref_squeeze %dma_wait3A_292 : memref<1x128xi32, #tpu.memory_space<vmem>> -> memref<128xi32, #tpu.memory_space<vmem>>
      %dma_wait3A_294 = arith.constant 0 : i32
      %dma_wait3A_295 = arith.constant 0 : i32
      %dma_wait3A_296 = tpu.memref_slice %arg9[%dma_wait3A_294, %dma_wait3A_295] : memref<10016x16xf32, #tpu.memory_space<vmem_shared>> -> memref<10016x16xf32, #tpu.memory_space<vmem_shared>>
      tpu.wait_indirect_dma semaphore(%arg18 : memref<!tpu.dma_semaphore, #tpu.memory_space<semaphore_mem>>) src(%dma_wait3A_290 : memref<128x16xf32, #tpu.memory_space<vmem>>) dst(%dma_wait3A_296 : memref<10016x16xf32, #tpu.memory_space<vmem_shared>>)
      %dma_wait3A_297 = arith.constant 1 : i32
      %dma_wait3A_298 = arith.constant 0 : i32
      %dma_wait3A_299 = tpu.memref_slice %arg11[%dma_wait3A_297, %dma_wait3A_298] : memref<4x128xi32, #tpu.memory_space<vmem>> -> memref<1x128xi32, #tpu.memory_space<vmem>>
      %dma_wait3A_300 = tpu.memref_squeeze %dma_wait3A_299 : memref<1x128xi32, #tpu.memory_space<vmem>> -> memref<128xi32, #tpu.memory_space<vmem>>
      %dma_wait3A_301 = arith.constant 0 : i32
      %dma_wait3A_302 = arith.constant 0 : i32
      %dma_wait3A_303 = tpu.memref_slice %arg10[%dma_wait3A_301, %dma_wait3A_302] : memref<10016x8xf32, #tpu.memory_space<vmem_shared>> -> memref<10016x8xf32, #tpu.memory_space<vmem_shared>>
      tpu.wait_indirect_dma semaphore(%arg18 : memref<!tpu.dma_semaphore, #tpu.memory_space<semaphore_mem>>) src(%arg15 : memref<128x8xf32, #tpu.memory_space<vmem>>) dst(%dma_wait3A_303 : memref<10016x8xf32, #tpu.memory_space<vmem_shared>>)
      %dma_wait3A_304 = arith.constant 2 : i32
      %dma_wait3A_305 = arith.constant 256 : i32
      %dma_wait3A_306 = arith.constant 0 : i32
      %dma_wait3A_307 = tpu.memref_slice %arg13[%dma_wait3A_305, %dma_wait3A_306] : memref<512x16xf32, #tpu.memory_space<vmem>> -> memref<128x16xf32, #tpu.memory_space<vmem>>
      %dma_wait3A_308 = arith.constant 0 : i32
      %dma_wait3A_309 = tpu.memref_slice %arg11[%dma_wait3A_304, %dma_wait3A_308] : memref<4x128xi32, #tpu.memory_space<vmem>> -> memref<1x128xi32, #tpu.memory_space<vmem>>
      %dma_wait3A_310 = tpu.memref_squeeze %dma_wait3A_309 : memref<1x128xi32, #tpu.memory_space<vmem>> -> memref<128xi32, #tpu.memory_space<vmem>>
      %dma_wait3A_311 = arith.constant 0 : i32
      %dma_wait3A_312 = arith.constant 0 : i32
      %dma_wait3A_313 = tpu.memref_slice %arg9[%dma_wait3A_311, %dma_wait3A_312] : memref<10016x16xf32, #tpu.memory_space<vmem_shared>> -> memref<10016x16xf32, #tpu.memory_space<vmem_shared>>
      tpu.wait_indirect_dma semaphore(%arg18 : memref<!tpu.dma_semaphore, #tpu.memory_space<semaphore_mem>>) src(%dma_wait3A_307 : memref<128x16xf32, #tpu.memory_space<vmem>>) dst(%dma_wait3A_313 : memref<10016x16xf32, #tpu.memory_space<vmem_shared>>)
      %dma_wait3A_314 = arith.constant 2 : i32
      %dma_wait3A_315 = arith.constant 0 : i32
      %dma_wait3A_316 = tpu.memref_slice %arg11[%dma_wait3A_314, %dma_wait3A_315] : memref<4x128xi32, #tpu.memory_space<vmem>> -> memref<1x128xi32, #tpu.memory_space<vmem>>
      %dma_wait3A_317 = tpu.memref_squeeze %dma_wait3A_316 : memref<1x128xi32, #tpu.memory_space<vmem>> -> memref<128xi32, #tpu.memory_space<vmem>>
      %dma_wait3A_318 = arith.constant 0 : i32
      %dma_wait3A_319 = arith.constant 0 : i32
      %dma_wait3A_320 = tpu.memref_slice %arg10[%dma_wait3A_318, %dma_wait3A_319] : memref<10016x8xf32, #tpu.memory_space<vmem_shared>> -> memref<10016x8xf32, #tpu.memory_space<vmem_shared>>
      tpu.wait_indirect_dma semaphore(%arg18 : memref<!tpu.dma_semaphore, #tpu.memory_space<semaphore_mem>>) src(%arg15 : memref<128x8xf32, #tpu.memory_space<vmem>>) dst(%dma_wait3A_320 : memref<10016x8xf32, #tpu.memory_space<vmem_shared>>)
      %dma_wait3A_321 = arith.constant 3 : i32
      %dma_wait3A_322 = arith.constant 384 : i32
      %dma_wait3A_323 = arith.constant 0 : i32
      %dma_wait3A_324 = tpu.memref_slice %arg13[%dma_wait3A_322, %dma_wait3A_323] : memref<512x16xf32, #tpu.memory_space<vmem>> -> memref<128x16xf32, #tpu.memory_space<vmem>>
      %dma_wait3A_325 = arith.constant 0 : i32
      %dma_wait3A_326 = tpu.memref_slice %arg11[%dma_wait3A_321, %dma_wait3A_325] : memref<4x128xi32, #tpu.memory_space<vmem>> -> memref<1x128xi32, #tpu.memory_space<vmem>>
      %dma_wait3A_327 = tpu.memref_squeeze %dma_wait3A_326 : memref<1x128xi32, #tpu.memory_space<vmem>> -> memref<128xi32, #tpu.memory_space<vmem>>
      %dma_wait3A_328 = arith.constant 0 : i32
      %dma_wait3A_329 = arith.constant 0 : i32
      %dma_wait3A_330 = tpu.memref_slice %arg9[%dma_wait3A_328, %dma_wait3A_329] : memref<10016x16xf32, #tpu.memory_space<vmem_shared>> -> memref<10016x16xf32, #tpu.memory_space<vmem_shared>>
      tpu.wait_indirect_dma semaphore(%arg18 : memref<!tpu.dma_semaphore, #tpu.memory_space<semaphore_mem>>) src(%dma_wait3A_324 : memref<128x16xf32, #tpu.memory_space<vmem>>) dst(%dma_wait3A_330 : memref<10016x16xf32, #tpu.memory_space<vmem_shared>>)
      %dma_wait3A_331 = arith.constant 3 : i32
      %dma_wait3A_332 = arith.constant 0 : i32
      %dma_wait3A_333 = tpu.memref_slice %arg11[%dma_wait3A_331, %dma_wait3A_332] : memref<4x128xi32, #tpu.memory_space<vmem>> -> memref<1x128xi32, #tpu.memory_space<vmem>>
      %dma_wait3A_334 = tpu.memref_squeeze %dma_wait3A_333 : memref<1x128xi32, #tpu.memory_space<vmem>> -> memref<128xi32, #tpu.memory_space<vmem>>
      %dma_wait3A_335 = arith.constant 0 : i32
      %dma_wait3A_336 = arith.constant 0 : i32
      %dma_wait3A_337 = tpu.memref_slice %arg10[%dma_wait3A_335, %dma_wait3A_336] : memref<10016x8xf32, #tpu.memory_space<vmem_shared>> -> memref<10016x8xf32, #tpu.memory_space<vmem_shared>>
      tpu.wait_indirect_dma semaphore(%arg18 : memref<!tpu.dma_semaphore, #tpu.memory_space<semaphore_mem>>) src(%arg15 : memref<128x8xf32, #tpu.memory_space<vmem>>) dst(%dma_wait3A_337 : memref<10016x8xf32, #tpu.memory_space<vmem_shared>>)
      %mul3A_338 = arith.constant 2 : i32
      %mul3A_339 = arith.muli %mul3A_338, %scan3A_24 : i32
      %add3A_340 = arith.constant 2 : i32
      %add3A_341 = arith.addi %mul3A_339, %add3A_340 : i32
      %lt3A = arith.constant 20 : i32
      %lt3A_342 = arith.cmpi slt, %add3A_341, %lt3A : i32
      %convert_element_type3A = arith.extui %lt3A_342 : i1 to i32
      %cond3A = arith.constant 0 : i32
      %cond3A_343 = arith.cmpi ne, %convert_element_type3A, %cond3A : i32
      scf.if %cond3A_343 {
        %mul3A_344 = arith.constant 2 : i32
        %mul3A_345 = arith.muli %mul3A_344, %scan3A_24 : i32
        %add3A_346 = arith.constant 2 : i32
        %add3A_347 = arith.addi %mul3A_345, %add3A_346 : i32
        %mul3A_348 = arith.constant 4 : i32
        %mul3A_349 = arith.muli %add3A_347, %mul3A_348 : i32
        %add3A_350 = arith.addi %mul3A_2, %mul3A_349 : i32
        %dma_start3A_351 = arith.constant 0 : i32
        %dma_start3A_352 = tpu.memref_slice %arg2[%add3A_350, %dma_start3A_351] : memref<2560x128xi32, #tpu.memory_space<hbm>> -> memref<4x128xi32, #tpu.memory_space<hbm>>
        %dma_start3A_353 = arith.constant 0 : i32
        %dma_start3A_354 = tpu.memref_slice %arg2[%add3A_350, %dma_start3A_353] : memref<2560x128xi32, #tpu.memory_space<hbm>> -> memref<4x128xi32, #tpu.memory_space<hbm>>
        tpu.enqueue_dma source(%dma_start3A_354 : memref<4x128xi32, #tpu.memory_space<hbm>>) target(%arg11 : memref<4x128xi32, #tpu.memory_space<vmem>>) target_semaphore(%arg16 : memref<!tpu.dma_semaphore, #tpu.memory_space<semaphore_mem>>)
        %mul3A_355 = arith.constant 512 : i32
        %mul3A_356 = arith.muli %add3A_347, %mul3A_355 : i32
        %add3A_357 = arith.addi %mul3A_4, %mul3A_356 : i32
        %dma_start3A_358 = arith.constant 0 : i32
        %dma_start3A_359 = tpu.memref_slice %arg3[%add3A_357, %dma_start3A_358] : memref<327680x16xf32, #tpu.memory_space<hbm>> -> memref<512x16xf32, #tpu.memory_space<hbm>>
        %dma_start3A_360 = arith.constant 0 : i32
        %dma_start3A_361 = tpu.memref_slice %arg3[%add3A_357, %dma_start3A_360] : memref<327680x16xf32, #tpu.memory_space<hbm>> -> memref<512x16xf32, #tpu.memory_space<hbm>>
        tpu.enqueue_dma source(%dma_start3A_361 : memref<512x16xf32, #tpu.memory_space<hbm>>) target(%arg13 : memref<512x16xf32, #tpu.memory_space<vmem>>) target_semaphore(%arg16 : memref<!tpu.dma_semaphore, #tpu.memory_space<semaphore_mem>>)
      } else {
      }
    }
    %scan3A_22 = arith.constant 10 : i32
    %barrier3A_23 = arith.constant 0 : index
    tpu.barrier barrier_id(%barrier3A_23)
    "tpu.region"() ({
      %run_scoped3A = tpu.sem_alloc : memref<!tpu.dma_semaphore, #tpu.memory_space<semaphore_mem>>
      %dma_start3A_24 = arith.constant 0 : i32
      %dma_start3A_25 = tpu.memref_slice %arg7[%arg0, %mul3A_17, %dma_start3A_24] : memref<2x10016x16xf32, #tpu.memory_space<hbm>> -> memref<1x626x16xf32, #tpu.memory_space<hbm>>
      %dma_start3A_26 = tpu.memref_squeeze %dma_start3A_25 : memref<1x626x16xf32, #tpu.memory_space<hbm>> -> memref<626x16xf32, #tpu.memory_space<hbm>>
      %dma_start3A_27 = arith.constant 0 : i32
      %dma_start3A_28 = tpu.memref_slice %arg9[%mul3A_17, %dma_start3A_27] : memref<10016x16xf32, #tpu.memory_space<vmem_shared>> -> memref<626x16xf32, #tpu.memory_space<vmem_shared>>
      tpu.enqueue_dma source(%dma_start3A_28 : memref<626x16xf32, #tpu.memory_space<vmem_shared>>) target(%dma_start3A_26 : memref<626x16xf32, #tpu.memory_space<hbm>>) target_semaphore(%run_scoped3A : memref<!tpu.dma_semaphore, #tpu.memory_space<semaphore_mem>>)
      %dma_wait3A = arith.constant 0 : i32
      %dma_wait3A_29 = tpu.memref_slice %arg7[%arg0, %mul3A_17, %dma_wait3A] : memref<2x10016x16xf32, #tpu.memory_space<hbm>> -> memref<1x626x16xf32, #tpu.memory_space<hbm>>
      %dma_wait3A_30 = tpu.memref_squeeze %dma_wait3A_29 : memref<1x626x16xf32, #tpu.memory_space<hbm>> -> memref<626x16xf32, #tpu.memory_space<hbm>>
      %dma_wait3A_31 = arith.constant 0 : i32
      %dma_wait3A_32 = tpu.memref_slice %arg9[%mul3A_17, %dma_wait3A_31] : memref<10016x16xf32, #tpu.memory_space<vmem_shared>> -> memref<626x16xf32, #tpu.memory_space<vmem_shared>>
      tpu.wait_dma2 semaphore(%run_scoped3A : memref<!tpu.dma_semaphore, #tpu.memory_space<semaphore_mem>>) src(%dma_wait3A_32 : memref<626x16xf32, #tpu.memory_space<vmem_shared>>) dst(%dma_wait3A_30 : memref<626x16xf32, #tpu.memory_space<hbm>>)
      tpu.yield
    }) : () -> ()
    "tpu.region"() ({
      %run_scoped3A = tpu.sem_alloc : memref<!tpu.dma_semaphore, #tpu.memory_space<semaphore_mem>>
      %dma_start3A_24 = arith.constant 0 : i32
      %dma_start3A_25 = tpu.memref_slice %arg8[%arg0, %mul3A_17, %dma_start3A_24] : memref<2x10016x8xf32, #tpu.memory_space<hbm>> -> memref<1x626x8xf32, #tpu.memory_space<hbm>>
      %dma_start3A_26 = tpu.memref_squeeze %dma_start3A_25 : memref<1x626x8xf32, #tpu.memory_space<hbm>> -> memref<626x8xf32, #tpu.memory_space<hbm>>
      %dma_start3A_27 = arith.constant 0 : i32
      %dma_start3A_28 = tpu.memref_slice %arg10[%mul3A_17, %dma_start3A_27] : memref<10016x8xf32, #tpu.memory_space<vmem_shared>> -> memref<626x8xf32, #tpu.memory_space<vmem_shared>>
      tpu.enqueue_dma source(%dma_start3A_28 : memref<626x8xf32, #tpu.memory_space<vmem_shared>>) target(%dma_start3A_26 : memref<626x8xf32, #tpu.memory_space<hbm>>) target_semaphore(%run_scoped3A : memref<!tpu.dma_semaphore, #tpu.memory_space<semaphore_mem>>)
      %dma_wait3A = arith.constant 0 : i32
      %dma_wait3A_29 = tpu.memref_slice %arg8[%arg0, %mul3A_17, %dma_wait3A] : memref<2x10016x8xf32, #tpu.memory_space<hbm>> -> memref<1x626x8xf32, #tpu.memory_space<hbm>>
      %dma_wait3A_30 = tpu.memref_squeeze %dma_wait3A_29 : memref<1x626x8xf32, #tpu.memory_space<hbm>> -> memref<626x8xf32, #tpu.memory_space<hbm>>
      %dma_wait3A_31 = arith.constant 0 : i32
      %dma_wait3A_32 = tpu.memref_slice %arg10[%mul3A_17, %dma_wait3A_31] : memref<10016x8xf32, #tpu.memory_space<vmem_shared>> -> memref<626x8xf32, #tpu.memory_space<vmem_shared>>
      tpu.wait_dma2 semaphore(%run_scoped3A : memref<!tpu.dma_semaphore, #tpu.memory_space<semaphore_mem>>) src(%dma_wait3A_32 : memref<626x8xf32, #tpu.memory_space<vmem_shared>>) dst(%dma_wait3A_30 : memref<626x8xf32, #tpu.memory_space<hbm>>)
      tpu.yield
    }) : () -> ()
    return
  }
}

module attributes {stable_mosaic.version = 14 : i64} {
  func.func @_prep_body(%arg0: i32, %arg1: memref<2x32768xi32, #tpu.memory_space<vmem>>, %arg2: memref<16x32768xf32, #tpu.memory_space<vmem>>, %arg3: memref<256x128xi32, #tpu.memory_space<vmem>>, %arg4: memref<4096x128xf32, #tpu.memory_space<vmem>>) attributes {dimension_semantics = [#tpu.dimension_semantics<arbitrary>], iteration_bounds = array<i64: 10>, scalar_prefetch = 0 : i64, scratch_operands = 0 : i64, tpu.core_type = #tpu.core_type<tc>, window_params = [{transform_indices = @transform_0, window_bounds = array<i64: 2, 32768>}, {transform_indices = @transform_1, window_bounds = array<i64: 16, 32768>}, {transform_indices = @transform_2, window_bounds = array<i64: 256, 128>}, {transform_indices = @transform_3, window_bounds = array<i64: 4096, 128>}]} {
    %get3A = arith.constant 0 : index
    %get3A_0 = arith.constant 0 : index
    %get3A_1 = vector.load %arg2[%get3A, %get3A_0] : memref<16x32768xf32, #tpu.memory_space<vmem>>, vector<16x32768xf32>
    %iota3A = tpu.iota {dimensions = array<i32: 0>} : vector<16x128xi32>
    %iota3A_2 = tpu.iota {dimensions = array<i32: 1>} : vector<16x128xi32>
    %broadcast_in_dim3A = arith.constant 0.000000e+00 : f32
    %broadcast_in_dim3A_3 = vector.broadcast %broadcast_in_dim3A : f32 to vector<4096x128xf32>
    %add3A = arith.constant 0 : i32
    %add3A_4 = vector.broadcast %add3A : i32 to vector<16x128xi32>
    %add3A_5 = arith.addi %iota3A, %add3A_4 : vector<16x128xi32>
    %eq3A = arith.cmpi eq, %iota3A_2, %add3A_5 : vector<16x128xi32>
    %jit3A = arith.constant 1.000000e+00 : f32
    %jit3A_6 = arith.constant 0.000000e+00 : f32
    %broadcast_in_dim3A_7 = vector.broadcast %jit3A : f32 to vector<16x128xf32>
    %broadcast_in_dim3A_8 = vector.broadcast %jit3A_6 : f32 to vector<16x128xf32>
    %select_n3A = arith.select %eq3A, %broadcast_in_dim3A_7, %broadcast_in_dim3A_8 : vector<16x128xi1>, vector<16x128xf32>
    %slice3A = vector.extract_strided_slice %get3A_1 {offsets = [0, 0], sizes = [16, 4096], strides = [1, 1]} : vector<16x32768xf32> to vector<16x4096xf32>
    %dot_general3A = arith.constant dense<0.000000e+00> : vector<4096x128xf32>
    %dot_general3A_9 = tpu.matmul %slice3A, %select_n3A, %dot_general3A {dimension_numbers = #tpu.dot_dimension_numbers<[0], [0], [1], [1], [0, 1, 1, 1], [], []>, transpose_lhs_hint = false} : vector<16x4096xf32>, vector<16x128xf32>, vector<4096x128xf32> -> vector<4096x128xf32>
    %add3A_10 = arith.addf %broadcast_in_dim3A_3, %dot_general3A_9 : vector<4096x128xf32>
    %add3A_11 = arith.constant 16 : i32
    %add3A_12 = vector.broadcast %add3A_11 : i32 to vector<16x128xi32>
    %add3A_13 = arith.addi %iota3A, %add3A_12 : vector<16x128xi32>
    %eq3A_14 = arith.cmpi eq, %iota3A_2, %add3A_13 : vector<16x128xi32>
    %jit3A_15 = arith.constant 1.000000e+00 : f32
    %jit3A_16 = arith.constant 0.000000e+00 : f32
    %broadcast_in_dim3A_17 = vector.broadcast %jit3A_15 : f32 to vector<16x128xf32>
    %broadcast_in_dim3A_18 = vector.broadcast %jit3A_16 : f32 to vector<16x128xf32>
    %select_n3A_19 = arith.select %eq3A_14, %broadcast_in_dim3A_17, %broadcast_in_dim3A_18 : vector<16x128xi1>, vector<16x128xf32>
    %slice3A_20 = vector.extract_strided_slice %get3A_1 {offsets = [0, 4096], sizes = [16, 4096], strides = [1, 1]} : vector<16x32768xf32> to vector<16x4096xf32>
    %dot_general3A_21 = arith.constant dense<0.000000e+00> : vector<4096x128xf32>
    %dot_general3A_22 = tpu.matmul %slice3A_20, %select_n3A_19, %dot_general3A_21 {dimension_numbers = #tpu.dot_dimension_numbers<[0], [0], [1], [1], [0, 1, 1, 1], [], []>, transpose_lhs_hint = false} : vector<16x4096xf32>, vector<16x128xf32>, vector<4096x128xf32> -> vector<4096x128xf32>
    %add3A_23 = arith.addf %add3A_10, %dot_general3A_22 : vector<4096x128xf32>
    %add3A_24 = arith.constant 32 : i32
    %add3A_25 = vector.broadcast %add3A_24 : i32 to vector<16x128xi32>
    %add3A_26 = arith.addi %iota3A, %add3A_25 : vector<16x128xi32>
    %eq3A_27 = arith.cmpi eq, %iota3A_2, %add3A_26 : vector<16x128xi32>
    %jit3A_28 = arith.constant 1.000000e+00 : f32
    %jit3A_29 = arith.constant 0.000000e+00 : f32
    %broadcast_in_dim3A_30 = vector.broadcast %jit3A_28 : f32 to vector<16x128xf32>
    %broadcast_in_dim3A_31 = vector.broadcast %jit3A_29 : f32 to vector<16x128xf32>
    %select_n3A_32 = arith.select %eq3A_27, %broadcast_in_dim3A_30, %broadcast_in_dim3A_31 : vector<16x128xi1>, vector<16x128xf32>
    %slice3A_33 = vector.extract_strided_slice %get3A_1 {offsets = [0, 8192], sizes = [16, 4096], strides = [1, 1]} : vector<16x32768xf32> to vector<16x4096xf32>
    %dot_general3A_34 = arith.constant dense<0.000000e+00> : vector<4096x128xf32>
    %dot_general3A_35 = tpu.matmul %slice3A_33, %select_n3A_32, %dot_general3A_34 {dimension_numbers = #tpu.dot_dimension_numbers<[0], [0], [1], [1], [0, 1, 1, 1], [], []>, transpose_lhs_hint = false} : vector<16x4096xf32>, vector<16x128xf32>, vector<4096x128xf32> -> vector<4096x128xf32>
    %add3A_36 = arith.addf %add3A_23, %dot_general3A_35 : vector<4096x128xf32>
    %add3A_37 = arith.constant 48 : i32
    %add3A_38 = vector.broadcast %add3A_37 : i32 to vector<16x128xi32>
    %add3A_39 = arith.addi %iota3A, %add3A_38 : vector<16x128xi32>
    %eq3A_40 = arith.cmpi eq, %iota3A_2, %add3A_39 : vector<16x128xi32>
    %jit3A_41 = arith.constant 1.000000e+00 : f32
    %jit3A_42 = arith.constant 0.000000e+00 : f32
    %broadcast_in_dim3A_43 = vector.broadcast %jit3A_41 : f32 to vector<16x128xf32>
    %broadcast_in_dim3A_44 = vector.broadcast %jit3A_42 : f32 to vector<16x128xf32>
    %select_n3A_45 = arith.select %eq3A_40, %broadcast_in_dim3A_43, %broadcast_in_dim3A_44 : vector<16x128xi1>, vector<16x128xf32>
    %slice3A_46 = vector.extract_strided_slice %get3A_1 {offsets = [0, 12288], sizes = [16, 4096], strides = [1, 1]} : vector<16x32768xf32> to vector<16x4096xf32>
    %dot_general3A_47 = arith.constant dense<0.000000e+00> : vector<4096x128xf32>
    %dot_general3A_48 = tpu.matmul %slice3A_46, %select_n3A_45, %dot_general3A_47 {dimension_numbers = #tpu.dot_dimension_numbers<[0], [0], [1], [1], [0, 1, 1, 1], [], []>, transpose_lhs_hint = false} : vector<16x4096xf32>, vector<16x128xf32>, vector<4096x128xf32> -> vector<4096x128xf32>
    %add3A_49 = arith.addf %add3A_36, %dot_general3A_48 : vector<4096x128xf32>
    %add3A_50 = arith.constant 64 : i32
    %add3A_51 = vector.broadcast %add3A_50 : i32 to vector<16x128xi32>
    %add3A_52 = arith.addi %iota3A, %add3A_51 : vector<16x128xi32>
    %eq3A_53 = arith.cmpi eq, %iota3A_2, %add3A_52 : vector<16x128xi32>
    %jit3A_54 = arith.constant 1.000000e+00 : f32
    %jit3A_55 = arith.constant 0.000000e+00 : f32
    %broadcast_in_dim3A_56 = vector.broadcast %jit3A_54 : f32 to vector<16x128xf32>
    %broadcast_in_dim3A_57 = vector.broadcast %jit3A_55 : f32 to vector<16x128xf32>
    %select_n3A_58 = arith.select %eq3A_53, %broadcast_in_dim3A_56, %broadcast_in_dim3A_57 : vector<16x128xi1>, vector<16x128xf32>
    %slice3A_59 = vector.extract_strided_slice %get3A_1 {offsets = [0, 16384], sizes = [16, 4096], strides = [1, 1]} : vector<16x32768xf32> to vector<16x4096xf32>
    %dot_general3A_60 = arith.constant dense<0.000000e+00> : vector<4096x128xf32>
    %dot_general3A_61 = tpu.matmul %slice3A_59, %select_n3A_58, %dot_general3A_60 {dimension_numbers = #tpu.dot_dimension_numbers<[0], [0], [1], [1], [0, 1, 1, 1], [], []>, transpose_lhs_hint = false} : vector<16x4096xf32>, vector<16x128xf32>, vector<4096x128xf32> -> vector<4096x128xf32>
    %add3A_62 = arith.addf %add3A_49, %dot_general3A_61 : vector<4096x128xf32>
    %add3A_63 = arith.constant 80 : i32
    %add3A_64 = vector.broadcast %add3A_63 : i32 to vector<16x128xi32>
    %add3A_65 = arith.addi %iota3A, %add3A_64 : vector<16x128xi32>
    %eq3A_66 = arith.cmpi eq, %iota3A_2, %add3A_65 : vector<16x128xi32>
    %jit3A_67 = arith.constant 1.000000e+00 : f32
    %jit3A_68 = arith.constant 0.000000e+00 : f32
    %broadcast_in_dim3A_69 = vector.broadcast %jit3A_67 : f32 to vector<16x128xf32>
    %broadcast_in_dim3A_70 = vector.broadcast %jit3A_68 : f32 to vector<16x128xf32>
    %select_n3A_71 = arith.select %eq3A_66, %broadcast_in_dim3A_69, %broadcast_in_dim3A_70 : vector<16x128xi1>, vector<16x128xf32>
    %slice3A_72 = vector.extract_strided_slice %get3A_1 {offsets = [0, 20480], sizes = [16, 4096], strides = [1, 1]} : vector<16x32768xf32> to vector<16x4096xf32>
    %dot_general3A_73 = arith.constant dense<0.000000e+00> : vector<4096x128xf32>
    %dot_general3A_74 = tpu.matmul %slice3A_72, %select_n3A_71, %dot_general3A_73 {dimension_numbers = #tpu.dot_dimension_numbers<[0], [0], [1], [1], [0, 1, 1, 1], [], []>, transpose_lhs_hint = false} : vector<16x4096xf32>, vector<16x128xf32>, vector<4096x128xf32> -> vector<4096x128xf32>
    %add3A_75 = arith.addf %add3A_62, %dot_general3A_74 : vector<4096x128xf32>
    %add3A_76 = arith.constant 96 : i32
    %add3A_77 = vector.broadcast %add3A_76 : i32 to vector<16x128xi32>
    %add3A_78 = arith.addi %iota3A, %add3A_77 : vector<16x128xi32>
    %eq3A_79 = arith.cmpi eq, %iota3A_2, %add3A_78 : vector<16x128xi32>
    %jit3A_80 = arith.constant 1.000000e+00 : f32
    %jit3A_81 = arith.constant 0.000000e+00 : f32
    %broadcast_in_dim3A_82 = vector.broadcast %jit3A_80 : f32 to vector<16x128xf32>
    %broadcast_in_dim3A_83 = vector.broadcast %jit3A_81 : f32 to vector<16x128xf32>
    %select_n3A_84 = arith.select %eq3A_79, %broadcast_in_dim3A_82, %broadcast_in_dim3A_83 : vector<16x128xi1>, vector<16x128xf32>
    %slice3A_85 = vector.extract_strided_slice %get3A_1 {offsets = [0, 24576], sizes = [16, 4096], strides = [1, 1]} : vector<16x32768xf32> to vector<16x4096xf32>
    %dot_general3A_86 = arith.constant dense<0.000000e+00> : vector<4096x128xf32>
    %dot_general3A_87 = tpu.matmul %slice3A_85, %select_n3A_84, %dot_general3A_86 {dimension_numbers = #tpu.dot_dimension_numbers<[0], [0], [1], [1], [0, 1, 1, 1], [], []>, transpose_lhs_hint = false} : vector<16x4096xf32>, vector<16x128xf32>, vector<4096x128xf32> -> vector<4096x128xf32>
    %add3A_88 = arith.addf %add3A_75, %dot_general3A_87 : vector<4096x128xf32>
    %add3A_89 = arith.constant 112 : i32
    %add3A_90 = vector.broadcast %add3A_89 : i32 to vector<16x128xi32>
    %add3A_91 = arith.addi %iota3A, %add3A_90 : vector<16x128xi32>
    %eq3A_92 = arith.cmpi eq, %iota3A_2, %add3A_91 : vector<16x128xi32>
    %jit3A_93 = arith.constant 1.000000e+00 : f32
    %jit3A_94 = arith.constant 0.000000e+00 : f32
    %broadcast_in_dim3A_95 = vector.broadcast %jit3A_93 : f32 to vector<16x128xf32>
    %broadcast_in_dim3A_96 = vector.broadcast %jit3A_94 : f32 to vector<16x128xf32>
    %select_n3A_97 = arith.select %eq3A_92, %broadcast_in_dim3A_95, %broadcast_in_dim3A_96 : vector<16x128xi1>, vector<16x128xf32>
    %slice3A_98 = vector.extract_strided_slice %get3A_1 {offsets = [0, 28672], sizes = [16, 4096], strides = [1, 1]} : vector<16x32768xf32> to vector<16x4096xf32>
    %dot_general3A_99 = arith.constant dense<0.000000e+00> : vector<4096x128xf32>
    %dot_general3A_100 = tpu.matmul %slice3A_98, %select_n3A_97, %dot_general3A_99 {dimension_numbers = #tpu.dot_dimension_numbers<[0], [0], [1], [1], [0, 1, 1, 1], [], []>, transpose_lhs_hint = false} : vector<16x4096xf32>, vector<16x128xf32>, vector<4096x128xf32> -> vector<4096x128xf32>
    %add3A_101 = arith.addf %add3A_88, %dot_general3A_100 : vector<4096x128xf32>
    %swap3A = arith.constant 0 : index
    %swap3A_102 = arith.constant 0 : index
    %swap3A_103 = vector.load %arg4[%swap3A, %swap3A_102] : memref<4096x128xf32, #tpu.memory_space<vmem>>, vector<4096x128xf32>
    tpu.vector_store %arg4[%swap3A, %swap3A_102], %add3A_101 {strides = array<i32>} : memref<4096x128xf32, #tpu.memory_space<vmem>>, vector<4096x128xf32>,
    %get3A_104 = arith.constant 1 : index
    %get3A_105 = arith.constant 0 : index
    %get3A_106 = vector.load %arg1[%get3A_104, %get3A_105] : memref<2x32768xi32, #tpu.memory_space<vmem>>, vector<1x32768xi32>
    %get3A_107 = vector.shape_cast %get3A_106 : vector<1x32768xi32> to vector<32768xi32>
    %reshape3A = vector.shape_cast %get3A_107 : vector<32768xi32> to vector<8x4096xi32>
    %transpose3A = tpu.transpose %reshape3A, [1, 0] : vector<8x4096xi32> -> vector<4096x8xi32>
    %iota3A_108 = tpu.iota {dimensions = array<i32: 0>} : vector<4096x8xi32>
    %iota3A_109 = tpu.iota {dimensions = array<i32: 1>} : vector<4096x8xi32>
    %mul3A = arith.constant 32768 : i32
    %mul3A_110 = arith.muli %arg0, %mul3A : i32
    %mul3A_111 = arith.constant 4096 : i32
    %mul3A_112 = vector.broadcast %mul3A_111 : i32 to vector<4096x8xi32>
    %mul3A_113 = arith.muli %mul3A_112, %iota3A_109 : vector<4096x8xi32>
    %add3A_114 = vector.broadcast %mul3A_110 : i32 to vector<4096x8xi32>
    %add3A_115 = arith.addi %add3A_114, %mul3A_113 : vector<4096x8xi32>
    %add3A_116 = arith.addi %add3A_115, %iota3A_108 : vector<4096x8xi32>
    %lt3A = arith.constant 320000 : i32
    %lt3A_117 = vector.broadcast %lt3A : i32 to vector<4096x8xi32>
    %lt3A_118 = arith.cmpi slt, %add3A_116, %lt3A_117 : vector<4096x8xi32>
    %jit3A_119 = arith.constant 10000 : i32
    %broadcast_in_dim3A_120 = vector.broadcast %jit3A_119 : i32 to vector<4096x8xi32>
    %select_n3A_121 = arith.select %lt3A_118, %transpose3A, %broadcast_in_dim3A_120 : vector<4096x8xi1>, vector<4096x8xi32>
    %reshape3A_122 = vector.shape_cast %select_n3A_121 : vector<4096x8xi32> to vector<256x16x8xi32>
    %slice3A_123 = vector.extract_strided_slice %reshape3A_122 {offsets = [0, 0, 0], sizes = [256, 1, 8], strides = [1, 1, 1]} : vector<256x16x8xi32> to vector<256x1x8xi32>
    %squeeze3A = vector.shape_cast %slice3A_123 : vector<256x1x8xi32> to vector<256x8xi32>
    %swap3A_124 = arith.constant 0 : index
    %swap3A_125 = arith.constant 0 : index
    %swap3A_126 = vector.load %arg3[%swap3A_124, %swap3A_125] : memref<256x128xi32, #tpu.memory_space<vmem>>, vector<256x8xi32>
    tpu.vector_store %arg3[%swap3A_124, %swap3A_125], %squeeze3A {strides = array<i32>} : memref<256x128xi32, #tpu.memory_space<vmem>>, vector<256x8xi32>,
    %slice3A_127 = vector.extract_strided_slice %reshape3A_122 {offsets = [0, 1, 0], sizes = [256, 1, 8], strides = [1, 1, 1]} : vector<256x16x8xi32> to vector<256x1x8xi32>
    %squeeze3A_128 = vector.shape_cast %slice3A_127 : vector<256x1x8xi32> to vector<256x8xi32>
    %swap3A_129 = arith.constant 0 : index
    %swap3A_130 = arith.constant 8 : index
    %swap3A_131 = vector.load %arg3[%swap3A_129, %swap3A_130] : memref<256x128xi32, #tpu.memory_space<vmem>>, vector<256x8xi32>
    tpu.vector_store %arg3[%swap3A_129, %swap3A_130], %squeeze3A_128 {strides = array<i32>} : memref<256x128xi32, #tpu.memory_space<vmem>>, vector<256x8xi32>,
    %slice3A_132 = vector.extract_strided_slice %reshape3A_122 {offsets = [0, 2, 0], sizes = [256, 1, 8], strides = [1, 1, 1]} : vector<256x16x8xi32> to vector<256x1x8xi32>
    %squeeze3A_133 = vector.shape_cast %slice3A_132 : vector<256x1x8xi32> to vector<256x8xi32>
    %swap3A_134 = arith.constant 0 : index
    %swap3A_135 = arith.constant 16 : index
    %swap3A_136 = vector.load %arg3[%swap3A_134, %swap3A_135] : memref<256x128xi32, #tpu.memory_space<vmem>>, vector<256x8xi32>
    tpu.vector_store %arg3[%swap3A_134, %swap3A_135], %squeeze3A_133 {strides = array<i32>} : memref<256x128xi32, #tpu.memory_space<vmem>>, vector<256x8xi32>,
    %slice3A_137 = vector.extract_strided_slice %reshape3A_122 {offsets = [0, 3, 0], sizes = [256, 1, 8], strides = [1, 1, 1]} : vector<256x16x8xi32> to vector<256x1x8xi32>
    %squeeze3A_138 = vector.shape_cast %slice3A_137 : vector<256x1x8xi32> to vector<256x8xi32>
    %swap3A_139 = arith.constant 0 : index
    %swap3A_140 = arith.constant 24 : index
    %swap3A_141 = vector.load %arg3[%swap3A_139, %swap3A_140] : memref<256x128xi32, #tpu.memory_space<vmem>>, vector<256x8xi32>
    tpu.vector_store %arg3[%swap3A_139, %swap3A_140], %squeeze3A_138 {strides = array<i32>} : memref<256x128xi32, #tpu.memory_space<vmem>>, vector<256x8xi32>,
    %slice3A_142 = vector.extract_strided_slice %reshape3A_122 {offsets = [0, 4, 0], sizes = [256, 1, 8], strides = [1, 1, 1]} : vector<256x16x8xi32> to vector<256x1x8xi32>
    %squeeze3A_143 = vector.shape_cast %slice3A_142 : vector<256x1x8xi32> to vector<256x8xi32>
    %swap3A_144 = arith.constant 0 : index
    %swap3A_145 = arith.constant 32 : index
    %swap3A_146 = vector.load %arg3[%swap3A_144, %swap3A_145] : memref<256x128xi32, #tpu.memory_space<vmem>>, vector<256x8xi32>
    tpu.vector_store %arg3[%swap3A_144, %swap3A_145], %squeeze3A_143 {strides = array<i32>} : memref<256x128xi32, #tpu.memory_space<vmem>>, vector<256x8xi32>,
    %slice3A_147 = vector.extract_strided_slice %reshape3A_122 {offsets = [0, 5, 0], sizes = [256, 1, 8], strides = [1, 1, 1]} : vector<256x16x8xi32> to vector<256x1x8xi32>
    %squeeze3A_148 = vector.shape_cast %slice3A_147 : vector<256x1x8xi32> to vector<256x8xi32>
    %swap3A_149 = arith.constant 0 : index
    %swap3A_150 = arith.constant 40 : index
    %swap3A_151 = vector.load %arg3[%swap3A_149, %swap3A_150] : memref<256x128xi32, #tpu.memory_space<vmem>>, vector<256x8xi32>
    tpu.vector_store %arg3[%swap3A_149, %swap3A_150], %squeeze3A_148 {strides = array<i32>} : memref<256x128xi32, #tpu.memory_space<vmem>>, vector<256x8xi32>,
    %slice3A_152 = vector.extract_strided_slice %reshape3A_122 {offsets = [0, 6, 0], sizes = [256, 1, 8], strides = [1, 1, 1]} : vector<256x16x8xi32> to vector<256x1x8xi32>
    %squeeze3A_153 = vector.shape_cast %slice3A_152 : vector<256x1x8xi32> to vector<256x8xi32>
    %swap3A_154 = arith.constant 0 : index
    %swap3A_155 = arith.constant 48 : index
    %swap3A_156 = vector.load %arg3[%swap3A_154, %swap3A_155] : memref<256x128xi32, #tpu.memory_space<vmem>>, vector<256x8xi32>
    tpu.vector_store %arg3[%swap3A_154, %swap3A_155], %squeeze3A_153 {strides = array<i32>} : memref<256x128xi32, #tpu.memory_space<vmem>>, vector<256x8xi32>,
    %slice3A_157 = vector.extract_strided_slice %reshape3A_122 {offsets = [0, 7, 0], sizes = [256, 1, 8], strides = [1, 1, 1]} : vector<256x16x8xi32> to vector<256x1x8xi32>
    %squeeze3A_158 = vector.shape_cast %slice3A_157 : vector<256x1x8xi32> to vector<256x8xi32>
    %swap3A_159 = arith.constant 0 : index
    %swap3A_160 = arith.constant 56 : index
    %swap3A_161 = vector.load %arg3[%swap3A_159, %swap3A_160] : memref<256x128xi32, #tpu.memory_space<vmem>>, vector<256x8xi32>
    tpu.vector_store %arg3[%swap3A_159, %swap3A_160], %squeeze3A_158 {strides = array<i32>} : memref<256x128xi32, #tpu.memory_space<vmem>>, vector<256x8xi32>,
    %slice3A_162 = vector.extract_strided_slice %reshape3A_122 {offsets = [0, 8, 0], sizes = [256, 1, 8], strides = [1, 1, 1]} : vector<256x16x8xi32> to vector<256x1x8xi32>
    %squeeze3A_163 = vector.shape_cast %slice3A_162 : vector<256x1x8xi32> to vector<256x8xi32>
    %swap3A_164 = arith.constant 0 : index
    %swap3A_165 = arith.constant 64 : index
    %swap3A_166 = vector.load %arg3[%swap3A_164, %swap3A_165] : memref<256x128xi32, #tpu.memory_space<vmem>>, vector<256x8xi32>
    tpu.vector_store %arg3[%swap3A_164, %swap3A_165], %squeeze3A_163 {strides = array<i32>} : memref<256x128xi32, #tpu.memory_space<vmem>>, vector<256x8xi32>,
    %slice3A_167 = vector.extract_strided_slice %reshape3A_122 {offsets = [0, 9, 0], sizes = [256, 1, 8], strides = [1, 1, 1]} : vector<256x16x8xi32> to vector<256x1x8xi32>
    %squeeze3A_168 = vector.shape_cast %slice3A_167 : vector<256x1x8xi32> to vector<256x8xi32>
    %swap3A_169 = arith.constant 0 : index
    %swap3A_170 = arith.constant 72 : index
    %swap3A_171 = vector.load %arg3[%swap3A_169, %swap3A_170] : memref<256x128xi32, #tpu.memory_space<vmem>>, vector<256x8xi32>
    tpu.vector_store %arg3[%swap3A_169, %swap3A_170], %squeeze3A_168 {strides = array<i32>} : memref<256x128xi32, #tpu.memory_space<vmem>>, vector<256x8xi32>,
    %slice3A_172 = vector.extract_strided_slice %reshape3A_122 {offsets = [0, 10, 0], sizes = [256, 1, 8], strides = [1, 1, 1]} : vector<256x16x8xi32> to vector<256x1x8xi32>
    %squeeze3A_173 = vector.shape_cast %slice3A_172 : vector<256x1x8xi32> to vector<256x8xi32>
    %swap3A_174 = arith.constant 0 : index
    %swap3A_175 = arith.constant 80 : index
    %swap3A_176 = vector.load %arg3[%swap3A_174, %swap3A_175] : memref<256x128xi32, #tpu.memory_space<vmem>>, vector<256x8xi32>
    tpu.vector_store %arg3[%swap3A_174, %swap3A_175], %squeeze3A_173 {strides = array<i32>} : memref<256x128xi32, #tpu.memory_space<vmem>>, vector<256x8xi32>,
    %slice3A_177 = vector.extract_strided_slice %reshape3A_122 {offsets = [0, 11, 0], sizes = [256, 1, 8], strides = [1, 1, 1]} : vector<256x16x8xi32> to vector<256x1x8xi32>
    %squeeze3A_178 = vector.shape_cast %slice3A_177 : vector<256x1x8xi32> to vector<256x8xi32>
    %swap3A_179 = arith.constant 0 : index
    %swap3A_180 = arith.constant 88 : index
    %swap3A_181 = vector.load %arg3[%swap3A_179, %swap3A_180] : memref<256x128xi32, #tpu.memory_space<vmem>>, vector<256x8xi32>
    tpu.vector_store %arg3[%swap3A_179, %swap3A_180], %squeeze3A_178 {strides = array<i32>} : memref<256x128xi32, #tpu.memory_space<vmem>>, vector<256x8xi32>,
    %slice3A_182 = vector.extract_strided_slice %reshape3A_122 {offsets = [0, 12, 0], sizes = [256, 1, 8], strides = [1, 1, 1]} : vector<256x16x8xi32> to vector<256x1x8xi32>
    %squeeze3A_183 = vector.shape_cast %slice3A_182 : vector<256x1x8xi32> to vector<256x8xi32>
    %swap3A_184 = arith.constant 0 : index
    %swap3A_185 = arith.constant 96 : index
    %swap3A_186 = vector.load %arg3[%swap3A_184, %swap3A_185] : memref<256x128xi32, #tpu.memory_space<vmem>>, vector<256x8xi32>
    tpu.vector_store %arg3[%swap3A_184, %swap3A_185], %squeeze3A_183 {strides = array<i32>} : memref<256x128xi32, #tpu.memory_space<vmem>>, vector<256x8xi32>,
    %slice3A_187 = vector.extract_strided_slice %reshape3A_122 {offsets = [0, 13, 0], sizes = [256, 1, 8], strides = [1, 1, 1]} : vector<256x16x8xi32> to vector<256x1x8xi32>
    %squeeze3A_188 = vector.shape_cast %slice3A_187 : vector<256x1x8xi32> to vector<256x8xi32>
    %swap3A_189 = arith.constant 0 : index
    %swap3A_190 = arith.constant 104 : index
    %swap3A_191 = vector.load %arg3[%swap3A_189, %swap3A_190] : memref<256x128xi32, #tpu.memory_space<vmem>>, vector<256x8xi32>
    tpu.vector_store %arg3[%swap3A_189, %swap3A_190], %squeeze3A_188 {strides = array<i32>} : memref<256x128xi32, #tpu.memory_space<vmem>>, vector<256x8xi32>,
    %slice3A_192 = vector.extract_strided_slice %reshape3A_122 {offsets = [0, 14, 0], sizes = [256, 1, 8], strides = [1, 1, 1]} : vector<256x16x8xi32> to vector<256x1x8xi32>
    %squeeze3A_193 = vector.shape_cast %slice3A_192 : vector<256x1x8xi32> to vector<256x8xi32>
    %swap3A_194 = arith.constant 0 : index
    %swap3A_195 = arith.constant 112 : index
    %swap3A_196 = vector.load %arg3[%swap3A_194, %swap3A_195] : memref<256x128xi32, #tpu.memory_space<vmem>>, vector<256x8xi32>
    tpu.vector_store %arg3[%swap3A_194, %swap3A_195], %squeeze3A_193 {strides = array<i32>} : memref<256x128xi32, #tpu.memory_space<vmem>>, vector<256x8xi32>,
    %slice3A_197 = vector.extract_strided_slice %reshape3A_122 {offsets = [0, 15, 0], sizes = [256, 1, 8], strides = [1, 1, 1]} : vector<256x16x8xi32> to vector<256x1x8xi32>
    %squeeze3A_198 = vector.shape_cast %slice3A_197 : vector<256x1x8xi32> to vector<256x8xi32>
    %swap3A_199 = arith.constant 0 : index
    %swap3A_200 = arith.constant 120 : index
    %swap3A_201 = vector.load %arg3[%swap3A_199, %swap3A_200] : memref<256x128xi32, #tpu.memory_space<vmem>>, vector<256x8xi32>
    tpu.vector_store %arg3[%swap3A_199, %swap3A_200], %squeeze3A_198 {strides = array<i32>} : memref<256x128xi32, #tpu.memory_space<vmem>>, vector<256x8xi32>,
    return
  }
  func.func @transform_0(%arg0: i32) -> (i32, i32) {
    %min3A = arith.constant 9 : i32
    %min3A_0 = arith.minsi %arg0, %min3A : i32
    %c0_i32 = arith.constant 0 : i32
    %c0_i32_1 = arith.constant 0 : i32
    return %c0_i32, %min3A_0 : i32, i32
  }
  func.func @transform_1(%arg0: i32) -> (i32, i32) {
    %min3A = arith.constant 9 : i32
    %min3A_0 = arith.minsi %arg0, %min3A : i32
    %c0_i32 = arith.constant 0 : i32
    %c0_i32_1 = arith.constant 0 : i32
    return %c0_i32, %min3A_0 : i32, i32
  }
  func.func @transform_2(%arg0: i32) -> (i32, i32) {
    %c0_i32 = arith.constant 0 : i32
    %c0_i32_0 = arith.constant 0 : i32
    return %arg0, %c0_i32 : i32, i32
  }
  func.func @transform_3(%arg0: i32) -> (i32, i32) {
    %c0_i32 = arith.constant 0 : i32
    %c0_i32_0 = arith.constant 0 : i32
    return %arg0, %c0_i32 : i32, i32
  }
}

module attributes {stable_mosaic.version = 14 : i64} {
  func.func @_tc_body(%arg0: i32, %arg1: memref<2x1000x16xf32, #tpu.memory_space<vmem>>, %arg2: memref<2x1000x8xf32, #tpu.memory_space<vmem>>, %arg3: memref<1000x128xf32, #tpu.memory_space<vmem>>, %arg4: memref<16x256xf32, #tpu.memory_space<vmem>>, %arg5: memref<128x256xf32, #tpu.memory_space<vmem>>, %arg6: memref<1x256xf32, #tpu.memory_space<vmem>>, %arg7: memref<256x128xf32, #tpu.memory_space<vmem>>, %arg8: memref<1x128xf32, #tpu.memory_space<vmem>>, %arg9: memref<1000x128xf32, #tpu.memory_space<vmem>>) attributes {dimension_semantics = [#tpu.dimension_semantics<arbitrary>], iteration_bounds = array<i64: 10>, scalar_prefetch = 0 : i64, scratch_operands = 0 : i64, tpu.core_type = #tpu.core_type<tc>, window_params = [{transform_indices = @transform_0, window_bounds = array<i64: 2, 1000, 16>}, {transform_indices = @transform_1, window_bounds = array<i64: 2, 1000, 8>}, {transform_indices = @transform_2, window_bounds = array<i64: 1000, 128>}, {pipeline_mode = #tpu.pipeline_mode<synchronous>, transform_indices = @transform_3, window_bounds = array<i64: 16, 256>}, {pipeline_mode = #tpu.pipeline_mode<synchronous>, transform_indices = @transform_4, window_bounds = array<i64: 128, 256>}, {pipeline_mode = #tpu.pipeline_mode<synchronous>, transform_indices = @transform_5, window_bounds = array<i64: 1, 256>}, {pipeline_mode = #tpu.pipeline_mode<synchronous>, transform_indices = @transform_6, window_bounds = array<i64: 256, 128>}, {pipeline_mode = #tpu.pipeline_mode<synchronous>, transform_indices = @transform_7, window_bounds = array<i64: 1, 128>}, {transform_indices = @transform_8, window_bounds = array<i64: 1000, 128>}]} {
    %get3A = arith.constant 0 : index
    %get3A_0 = arith.constant 0 : index
    %get3A_1 = arith.constant 0 : index
    %get3A_2 = vector.load %arg1[%get3A, %get3A_0, %get3A_1] : memref<2x1000x16xf32, #tpu.memory_space<vmem>>, vector<1x1000x16xf32>
    %get3A_3 = vector.shape_cast %get3A_2 : vector<1x1000x16xf32> to vector<1000x16xf32>
    %get3A_4 = arith.constant 1 : index
    %get3A_5 = arith.constant 0 : index
    %get3A_6 = arith.constant 0 : index
    %get3A_7 = vector.load %arg1[%get3A_4, %get3A_5, %get3A_6] : memref<2x1000x16xf32, #tpu.memory_space<vmem>>, vector<1x1000x16xf32>
    %get3A_8 = vector.shape_cast %get3A_7 : vector<1x1000x16xf32> to vector<1000x16xf32>
    %add3A = arith.addf %get3A_3, %get3A_8 : vector<1000x16xf32>
    %get3A_9 = arith.constant 0 : index
    %get3A_10 = arith.constant 0 : index
    %get3A_11 = arith.constant 0 : index
    %get3A_12 = vector.load %arg2[%get3A_9, %get3A_10, %get3A_11] : memref<2x1000x8xf32, #tpu.memory_space<vmem>>, vector<1x1000x8xf32>
    %get3A_13 = vector.shape_cast %get3A_12 : vector<1x1000x8xf32> to vector<1000x8xf32>
    %get3A_14 = arith.constant 1 : index
    %get3A_15 = arith.constant 0 : index
    %get3A_16 = arith.constant 0 : index
    %get3A_17 = vector.load %arg2[%get3A_14, %get3A_15, %get3A_16] : memref<2x1000x8xf32, #tpu.memory_space<vmem>>, vector<1x1000x8xf32>
    %get3A_18 = vector.shape_cast %get3A_17 : vector<1x1000x8xf32> to vector<1000x8xf32>
    %add3A_19 = arith.addf %get3A_13, %get3A_18 : vector<1000x8xf32>
    %max3A = arith.constant 1.000000e+00 : f32
    %max3A_20 = vector.broadcast %max3A : f32 to vector<1000x8xf32>
    %max3A_21 = arith.maximumf %add3A_19, %max3A_20 : vector<1000x8xf32>
    %div3A = arith.constant 1.000000e+00 : f32
    %div3A_22 = vector.broadcast %div3A : f32 to vector<1000x8xf32>
    %div3A_23 = arith.divf %div3A_22, %max3A_21 : vector<1000x8xf32>
    %concatenate3A = tpu.concatenate %div3A_23, %div3A_23 in 1 : vector<1000x8xf32>, vector<1000x8xf32> -> vector<1000x16xf32>
    %mul3A = arith.mulf %add3A, %concatenate3A : vector<1000x16xf32>
    %get3A_24 = arith.constant 0 : index
    %get3A_25 = arith.constant 0 : index
    %get3A_26 = vector.load %arg4[%get3A_24, %get3A_25] : memref<16x256xf32, #tpu.memory_space<vmem>>, vector<16x256xf32>
    %dot_general3A = arith.constant dense<0.000000e+00> : vector<1000x256xf32>
    %dot_general3A_27 = tpu.matmul %mul3A, %get3A_26, %dot_general3A {dimension_numbers = #tpu.dot_dimension_numbers<[1], [0], [0], [1], [0, 0, 1, 1], [], []>, transpose_lhs_hint = false} : vector<1000x16xf32>, vector<16x256xf32>, vector<1000x256xf32> -> vector<1000x256xf32>
    %get3A_28 = arith.constant 0 : index
    %get3A_29 = arith.constant 0 : index
    %get3A_30 = vector.load %arg3[%get3A_28, %get3A_29] : memref<1000x128xf32, #tpu.memory_space<vmem>>, vector<1000x128xf32>
    %get3A_31 = arith.constant 0 : index
    %get3A_32 = arith.constant 0 : index
    %get3A_33 = vector.load %arg5[%get3A_31, %get3A_32] : memref<128x256xf32, #tpu.memory_space<vmem>>, vector<128x256xf32>
    %dot_general3A_34 = arith.constant dense<0.000000e+00> : vector<1000x256xf32>
    %dot_general3A_35 = tpu.matmul %get3A_30, %get3A_33, %dot_general3A_34 {dimension_numbers = #tpu.dot_dimension_numbers<[1], [0], [0], [1], [0, 0, 1, 1], [], []>, transpose_lhs_hint = false} : vector<1000x128xf32>, vector<128x256xf32>, vector<1000x256xf32> -> vector<1000x256xf32>
    %add3A_36 = arith.addf %dot_general3A_27, %dot_general3A_35 : vector<1000x256xf32>
    %get3A_37 = arith.constant 0 : index
    %get3A_38 = arith.constant 0 : index
    %get3A_39 = vector.load %arg6[%get3A_37, %get3A_38] : memref<1x256xf32, #tpu.memory_space<vmem>>, vector<1x256xf32>
    %add3A_40 = vector.broadcast %get3A_39 : vector<1x256xf32> to vector<1000x256xf32>
    %add3A_41 = arith.addf %add3A_36, %add3A_40 : vector<1000x256xf32>
    %max3A_42 = arith.constant 0.000000e+00 : f32
    %max3A_43 = vector.broadcast %max3A_42 : f32 to vector<1000x256xf32>
    %max3A_44 = arith.maximumf %add3A_41, %max3A_43 : vector<1000x256xf32>
    %get3A_45 = arith.constant 0 : index
    %get3A_46 = arith.constant 0 : index
    %get3A_47 = vector.load %arg7[%get3A_45, %get3A_46] : memref<256x128xf32, #tpu.memory_space<vmem>>, vector<256x128xf32>
    %dot_general3A_48 = arith.constant dense<0.000000e+00> : vector<1000x128xf32>
    %dot_general3A_49 = tpu.matmul %max3A_44, %get3A_47, %dot_general3A_48 {dimension_numbers = #tpu.dot_dimension_numbers<[1], [0], [0], [1], [0, 0, 1, 1], [], []>, transpose_lhs_hint = false} : vector<1000x256xf32>, vector<256x128xf32>, vector<1000x128xf32> -> vector<1000x128xf32>
    %get3A_50 = arith.constant 0 : index
    %get3A_51 = arith.constant 0 : index
    %get3A_52 = vector.load %arg8[%get3A_50, %get3A_51] : memref<1x128xf32, #tpu.memory_space<vmem>>, vector<1x128xf32>
    %add3A_53 = vector.broadcast %get3A_52 : vector<1x128xf32> to vector<1000x128xf32>
    %add3A_54 = arith.addf %dot_general3A_49, %add3A_53 : vector<1000x128xf32>
    %swap3A = arith.constant 0 : index
    %swap3A_55 = arith.constant 0 : index
    %swap3A_56 = vector.load %arg9[%swap3A, %swap3A_55] : memref<1000x128xf32, #tpu.memory_space<vmem>>, vector<1000x128xf32>
    tpu.vector_store %arg9[%swap3A, %swap3A_55], %add3A_54 {strides = array<i32>} : memref<1000x128xf32, #tpu.memory_space<vmem>>, vector<1000x128xf32>,
    return
  }
  func.func @transform_0(%arg0: i32) -> (i32, i32, i32) {
    %c0_i32 = arith.constant 0 : i32
    %c0_i32_0 = arith.constant 0 : i32
    %c0_i32_1 = arith.constant 0 : i32
    return %c0_i32, %arg0, %c0_i32_0 : i32, i32, i32
  }
  func.func @transform_1(%arg0: i32) -> (i32, i32, i32) {
    %c0_i32 = arith.constant 0 : i32
    %c0_i32_0 = arith.constant 0 : i32
    %c0_i32_1 = arith.constant 0 : i32
    return %c0_i32, %arg0, %c0_i32_0 : i32, i32, i32
  }
  func.func @transform_2(%arg0: i32) -> (i32, i32) {
    %c0_i32 = arith.constant 0 : i32
    %c0_i32_0 = arith.constant 0 : i32
    return %arg0, %c0_i32 : i32, i32
  }
  func.func @transform_3(%arg0: i32) -> (i32, i32) {
    %c0_i32 = arith.constant 0 : i32
    %c0_i32_0 = arith.constant 0 : i32
    %c0_i32_1 = arith.constant 0 : i32
    return %c0_i32, %c0_i32_0 : i32, i32
  }
  func.func @transform_4(%arg0: i32) -> (i32, i32) {
    %c0_i32 = arith.constant 0 : i32
    %c0_i32_0 = arith.constant 0 : i32
    %c0_i32_1 = arith.constant 0 : i32
    return %c0_i32, %c0_i32_0 : i32, i32
  }
  func.func @transform_5(%arg0: i32) -> (i32, i32) {
    %c0_i32 = arith.constant 0 : i32
    %c0_i32_0 = arith.constant 0 : i32
    %c0_i32_1 = arith.constant 0 : i32
    return %c0_i32, %c0_i32_0 : i32, i32
  }
  func.func @transform_6(%arg0: i32) -> (i32, i32) {
    %c0_i32 = arith.constant 0 : i32
    %c0_i32_0 = arith.constant 0 : i32
    %c0_i32_1 = arith.constant 0 : i32
    return %c0_i32, %c0_i32_0 : i32, i32
  }
  func.func @transform_7(%arg0: i32) -> (i32, i32) {
    %c0_i32 = arith.constant 0 : i32
    %c0_i32_0 = arith.constant 0 : i32
    %c0_i32_1 = arith.constant 0 : i32
    return %c0_i32, %c0_i32_0 : i32, i32
  }
  func.func @transform_8(%arg0: i32) -> (i32, i32) {
    %c0_i32 = arith.constant 0 : i32
    %c0_i32_0 = arith.constant 0 : i32
    return %arg0, %c0_i32 : i32, i32
  }
}

</mosaic_0001>

<sc_bundles>
// kernel: kernel.5.cloned.1.call-start
scs
__scs_entry_jumppad:
0x0: {  	(pc) =	sbr.rel $0x88, $3  }
0x1: {  	(tag) =	ssettag $0x0;
	lr =	simm.s32 $0x1  }
0x2: {  	[smem:$0x3F9A] =	sst lr;
	_ =	strace $0xD0000000  }
0x3: {  	_ = 	snop  }
0x4: {  	_ = 	snop  }
0x5: {  	_ = 	snop  }
0x6: {  	_ = 	snop  }
0x7: {  	_ = 	snop  }
__scs_overlays_trampoline_lowered:
0x8: {  	[smem:$0x3FA9] =	sst s0  }
0x9: {  	[smem:$0x3FAA] =	sst s1  }
0xa: {  	[smem:$0x3FAB] =	sst s2  }
0xb: {  	[smem:$0x3FAC] =	sst s3  }
0xc: {  	[smem:$0x3FAD] =	sst s4  }
0xd: {  	[smem:$0x3FAE] =	sst s5  }
0xe: {  	[smem:$0x3FAF] =	sst s6  }
0xf: {  	[smem:$0x3FB0] =	sst s7  }
0x10: {  	[smem:$0x3FB1] =	sst s8  }
0x11: {  	[smem:$0x3FB2] =	sst s9;
	s0 =	simm.s32 @!p0 $0x0  }
0x12: {  	s1 =	sld [smem:$0x3F98];
	s0 =	simm.s32 @p0 $0x1  }
0x13: {  	[smem:$0x3FB3] =	sst s0;
	s0 =	simm.s32 @!p1 $0x0  }
0x14: {  	s2 =	sld [smem:$0x3F97];
	s0 =	simm.s32 @p1 $0x1  }
0x15: {  	[smem:$0x3FB4] =	sst s0;
	s0 =	simm.s32 @!p2 $0x0  }
0x16: {  	s3 =	sld [smem:$0x3FDB];
	s0 =	simm.s32 @p2 $0x1  }
0x17: {  	s4 =	simm.s32 $0x1BF5;
	[smem:$0x3FB6] =	sst s0  }
0x18: {  	s0 =	sld [smem:$0x3F99];
	_ =	swait.ge [sflag:s4], $0x0  }
0x19: {  	s7 =	sld [smem:$0x3F9A]  }
0x1a: {  	s8 =	sadd.s32 $0xFFFFE003, lr  }
0x1b: {  	s9 =	sadd.s32 $0xFFFFFEF7, lr;
	s5 =	simm.s32 $0xFFFFFFFF;
	p2 =	slt.u32 s8, $0xFFFFF086  }
0x1c: {  	p1 =	slt.u32 s9, $0xF7A;
	s5 =	simm.s32 @!p2 $0x0  }
0x1d: {  	s5 =	simm.s32 @p1 $0x1;
	p0 =	seq.s32 s7, s2  }
0x1e: {  	s7 =	smul.u32 @!p0 $0xF7A, s2;
	p2 =	seq.s32 @!p0 s5, $0x0  }
0x1f: {  	s9 =	smul.u32 $0xF7A, s1;
	s8 =	simm.s32 @!p0 $0x1BF5;
	p2 =	por !p2, p0  }
0x20: {  	[sflag:s8] =	ssyncset.s32 @!p0 $0xFFFFF086;
	s6 =	sadd.s32 @!p0 s3, s7;
	s7 =	simm.s32 @!p0 $0x108  }
0x21: {  	s3 =	sadd.s32 s3, s9;
	s6 =	sadd.s32 @!p0 $0x88, s6;
	s7 =	simm.s32 @p2 $0x1082  }
0x22: {  	[simem:s7], [sflag:s8] =	dma.local @!p0 [hbm:s6], $0xF7A  }
0x23: {  	s9 =	sor.u32 $0xD0000000, s2;
	s6 =	simm.s32 $0x108;
	_ =	swait.ge @!p0 [sflag:s8], $0x0  }
0x24: {  	s3 =	sadd.s32 $0x88, s3;
	s6 =	simm.s32 @!p1 $0x1082;
	[sflag:s4] =	ssyncset.s32 $0xFFFFF086  }
0x25: {  	[simem:s6], [sflag:s4] =	dma.local [hbm:s3], $0xF7A  }
0x26: {  	[smem:$0x3F9A] =	sst s1;
	(tag) =	ssettag s2;
	_ =	strace s9  }
0x27: {  	s1 =	sld [smem:$0x3FAA]  }
0x28: {  	s2 =	sld [smem:$0x3FAB]  }
0x29: {  	s4 =	sld [smem:$0x3FAD]  }
0x2a: {  	p0 =	seq.s32 s5, $0x0;
	s5 =	sld [smem:$0x3FAE]  }
0x2b: {  	s6 =	sld [smem:$0x3FAF]  }
0x2c: {  	s7 =	sld [smem:$0x3FB0]  }
0x2d: {  	s3 =	simm.s32 $0x108;
	s8 =	sld [smem:$0x3FB1]  }
0x2e: {  	s3 =	simm.s32 @!p0 $0x1082;
	s9 =	sld [smem:$0x3FB2]  }
0x2f: {  	lr =	sadd.s32 s0, s3;
	s0 =	sld [smem:$0x3FA9]  }
0x30: {  	s3 =	sld [smem:$0x3FAC]  }
0x31: {  	[smem:$0x3FB5] =	sst s10  }
0x32: {  	s10 =	sld [smem:$0x3FB3];
	_ =	sdelay $0x3  }
0x33: {  	p0 =	seq.s32 s10, $0x1;
	s10 =	sld [smem:$0x3FB5];
	_ =	sdelay $0x3  }
0x34: {  	[smem:$0x3FB5] =	sst s10  }
0x35: {  	s10 =	sld [smem:$0x3FB4];
	_ =	sdelay $0x3  }
0x36: {  	p1 =	seq.s32 s10, $0x1;
	s10 =	sld [smem:$0x3FB5];
	_ =	sdelay $0x3  }
0x37: {  	[smem:$0x3FB5] =	sst s10  }
0x38: {  	s10 =	sld [smem:$0x3FB6]  }
0x39: {  	_ = 	snop;
	(pc) =	sbr.ind lr, $3  }
0x3a: {  	_ = 	snop  }
0x3b: {  	_ = 	snop  }
0x3c: {  	p2 =	seq.s32 s10, $0x1;
	s10 =	sld [smem:$0x3FB5]  }
0x3d: {  	_ =	shalt  }
0x3e: {  	_ =	shalt  }
0x3f: {  	_ =	shalt  }
0x40: {  	_ =	shalt  }
0x41: {  	_ =	shalt  }
0x42: {  	_ =	shalt  }
0x43: {  	_ =	shalt  }
0x44: {  	_ =	shalt  }
0x45: {  	_ =	shalt  }
0x46: {  	_ =	shalt  }
0x47: {  	_ =	shalt  }
0x48: {  	_ =	shalt  }
0x49: {  	_ =	shalt  }
0x4a: {  	_ =	shalt  }
0x4b: {  	_ =	shalt  }
0x4c: {  	_ =	shalt  }
0x4d: {  	_ =	shalt  }
0x4e: {  	_ =	shalt  }
0x4f: {  	_ =	shalt  }
0x50: {  	_ =	shalt  }
0x51: {  	_ =	shalt  }
0x52: {  	_ =	shalt  }
0x53: {  	_ =	shalt  }
0x54: {  	_ =	shalt  }
0x55: {  	_ =	shalt  }
0x56: {  	_ =	shalt  }
0x57: {  	_ =	shalt  }
0x58: {  	_ =	shalt  }
0x59: {  	_ =	shalt  }
0x5a: {  	_ =	shalt  }
0x5b: {  	_ =	shalt  }
0x5c: {  	_ =	shalt  }
0x5d: {  	_ =	shalt  }
0x5e: {  	_ =	shalt  }
0x5f: {  	_ =	shalt  }
0x60: {  	_ =	shalt  }
0x61: {  	_ =	shalt  }
0x62: {  	_ =	shalt  }
0x63: {  	_ =	shalt  }
0x64: {  	_ =	shalt  }
0x65: {  	_ =	shalt  }
0x66: {  	_ =	shalt  }
0x67: {  	_ =	shalt  }
0x68: {  	_ =	shalt  }
0x69: {  	_ =	shalt  }
0x6a: {  	_ =	shalt  }
0x6b: {  	_ =	shalt  }
0x6c: {  	_ =	shalt  }
0x6d: {  	_ =	shalt  }
0x6e: {  	_ =	shalt  }
0x6f: {  	_ =	shalt  }
0x70: {  	_ =	shalt  }
0x71: {  	_ =	shalt  }
0x72: {  	_ =	shalt  }
0x73: {  	_ =	shalt  }
0x74: {  	_ =	shalt  }
0x75: {  	_ =	shalt  }
0x76: {  	_ =	shalt  }
0x77: {  	_ =	shalt  }
0x78: {  	_ =	shalt  }
0x79: {  	_ =	shalt  }
0x7a: {  	_ =	shalt  }
0x7b: {  	_ =	shalt  }
0x7c: {  	_ =	shalt  }
0x7d: {  	_ =	shalt  }
0x7e: {  	_ =	shalt  }
0x7f: {  	_ =	shalt  }
0x80: {  	_ =	shalt  }
0x81: {  	_ =	shalt  }
0x82: {  	_ =	shalt  }
0x83: {  	_ =	shalt  }
0x84: {  	_ =	shalt  }
0x85: {  	_ =	shalt  }
0x86: {  	_ =	shalt  }
0x87: {  	_ =	shalt  }
.Lfunc_end0:
.L_simem_size_0:
called_computation_lowered:
.L_overlay_start_0:
0x88: {  	s2 =	sld [smem:$0x3FD9]  }
0x89: {  	s3 =	sld [smem:$0x3FFE];
	_ =	sdelay $0x1  }
0x8a: {  	s1 =	srdreg.scid  }
0x8b: {  	s0 =	sand.u32 $0x1, s1  }
0x8c: {  	s17 =	sshll.u32 s0, $0xA;
	s2 =	sadd.s32 s3, s2  }
0x8d: {  	s2 =	sadd.s32 s2, s17  }
0x8e: {  	[smem:$0x3FC1] =	sst s2  }
0x8f: {  	_ = 	snop  }
0x90: {  	s2 =	sld [smem:$0x3FD0];
	(tm) =	ssettm $0x1  }
0x91: {  	s18 =	sld [smem:$0x3FFB];
	_ =	sdelay $0x3  }
0x92: {  	_ =	strace s18  }
0x93: {  	s3 =	sld [smem:$0x3FFC];
	_ =	sdelay $0x3  }
0x94: {  	_ =	strace s3  }
0x95: {  	s3 =	sld [smem:$0x3FFD];
	_ =	sdelay $0x3  }
0x96: {  	_ =	strace s3  }
0x97: {  	_ =	strace $0x8FFFFFFF  }
0x98: {  	s19 =	sld [smem:$0x3FDB];
	_ =	sdelay $0x1  }
0x99: {  	s4 =	simm.s32 $_scs_section_size  }
0x9a: {  	s5 =	simm.s32 $_size__tile_overlayer_lowered;
	s6 =	simm.s32 $_tile_overlayer_lowered  }
0x9b: {  	s22 =	simm.s32 $0x1BFF;
	s21 =	sshll.u32 s6, $0x1;
	s3 =	sadd.s32 s4, s19  }
0x9c: {  	s7 =	simm.s32 $0x0;
	s20 =	sshll.u32 s5, $0x1;
	s5 =	sadd.s32 s21, s3  }
0x9d: {  	[timem:s7], [sflag:s22] =	dma.local [hbm:s5], s20  }
0x9e: {  	_ =	swait.ge [sflag:s22], s20  }
0x9f: {  	s4 =	ssub.s32 $0x0, s20;
	[sflag:s22] =	ssyncset.done $0x0  }
0xa0: {  	[sflag:s22] =	ssyncadd.s32 s4;
	_ =	sdelay $0x1  }
0xa1: {  	s23 =	simm.s32 $0x1B8B  }
0xa2: {  	_ =	swait.ge [sflag:s23], $0x1  }
0xa3: {  	[sflag:s23] =	ssyncset.done $0x0  }
0xa4: {  	s25 =	simm.s32 $0x1B8E;
	s24 =	sld [smem:$0x3FFE];
	[sflag:s23] =	ssyncadd.s32 $0xFFFFFFFF  }
0xa5: {  	s26 =	simm.s32 $execute0_lowered;
	[smem:$0x3FD2] =	sst s25  }
0xa6: {  	s5 =	sshll.u32 s26, $0x1;
	_ =	strace $0x80000046;
	[dreg:$0x1] =	wrdreg $0xFFFFFFFF  }
0xa7: {  	s28 =	simm.s32 $_size_execute0_lowered;
	s3 =	sadd.s32 s3, s5;
	[dreg:$0x0] =	wrdreg $0x0  }
0xa8: {  	s5 =	sshll.u32 s28, $0x1;
	[dreg:$0x2] =	wrdreg s3  }
0xa9: {  	[dreg:$0x3] =	wrdreg s5  }
0xaa: {  	[dreg:$0x4] =	wrdreg $0xC0  }
0xab: {  	_ =	task [dreg:s7], $0x5FFFF  }
0xac: {  	[dreg:$0x1] =	wrdreg $0xFFFFFFFF  }
0xad: {  	[dreg:$0x0] =	wrdreg $0x60  }
0xae: {  	[dreg:$0x2] =	wrdreg s2  }
0xaf: {  	[dreg:$0x3] =	wrdreg s24  }
0xb0: {  	[dreg:$0x4] =	wrdreg $0x0  }
0xb1: {  	[dreg:$0x5] =	wrdreg $0x27200  }
0xb2: {  	[dreg:$0x6] =	wrdreg $0x9  }
0xb3: {  	_ =	task.clear_ibuf [dreg:s7], $0x7FFFF;
	_ =	strace $0x90000046  }
0xb4: {  	s29 =	simm.s32 $0x9;
	_ =	strace $0x80000048  }
0xb5: {  	_ =	swait.ge [sflag:s29], $0x1  }
0xb6: {  	[sflag:s29] =	ssyncadd.s32 $0xFFFFFFFF  }
0xb7: {  	_ =	strace $0x90000048  }
0xb8: {  	_ =	sfence  }
0xb9: {  	s30 =	sld [smem:$0x0];
	_ =	sdelay $0x2  }
0xba: {  	s31 =	sshll.u32 s1, $0xD;
	s1 =	sshrl.u32 s1, $0x2  }
0xbb: {  	s3 =	sand.u32 $0x4000, s31;
	s1 =	sadd.s32 s1, s30  }
0xbc: {  	s0 =	sor.u32 s3, s0;
	s1 =	sshll.u32 s1, $0x11  }
0xbd: {  	s0 =	sor.u32 s1, s0  }
0xbe: {  	s0 =	sadd.s32 $0x8F2B, s0  }
0xbf: {  	[sflag:s0] =	ssyncadd.remote.s32 $0x1  }
0xc0: {  	_ =	sfence.sel $0xFFFF  }
0xc1: {  	[dreg:$0x0] =	wrdreg $0xFFFFFFFF;
	(pc) =	sbr.abs _section_cstart, $3  }
0xc2: {  	[dreg:$0x1] =	wrdreg $0xFFFFFFFF  }
0xc3: {  	_ =	task.clear_ibuf [dreg:s7], $0x2FFFF;
	_ =	strace $0x9FFFFFFF  }
0xc4: {  	(tm) =	ssettm $0x7FFFFFFF  }
0xc5: {  	_ =	shalt  }
tec
execute0_lowered:
.L_overlay_start_1:
0x0: {  	(tag) =	ssettag $0x1  }
0x1: {  	s0 =	rddreg [dreg:$0x0]  }
0x2: {  	s1 =	rddreg [dreg:$0x1]  }
0x3: {  	s2 =	rddreg [dreg:$0x2]  }
0x4: {  	s3 =	rddreg [dreg:$0x3];
	s17 =	stileid.u32;
	s4 =	simm.s32 $0x0  }
0x5: {  	s6 =	srdreg.scid;
	s28 =	simm.s32 $0x80;
	s29 =	simm.s32 $0x3B30  }
0x6: {  	s30 =	simm.s32 $0x46B0;
	s31 =	simm.s32 $0x3BB0;
	s5 =	smul.u32 $0x2720, s17  }
0x7: {  	[smem:$0x7FF] =	sst s4;
	s7 =	smul.u32 $0x1390, s17;
	s6 =	sand.u32 $0x1, s6  }
0x8: {  	s9 =	sadd.s32 $0x2000, s1;
	s13 =	sshll.u32 s17, $0x1;
	s20 =	smul.u32 $0x5000, s17  }
0x9: {  	s14 =	sadd.s32 $0xA2000, s1;
	s18 =	sshll.u32 s17, $0x6;
	s8 =	smul.u32 $0x27200, s6  }
0xa: {  	_ =	strace $0x80000047;
	s12 =	smul.u32 $0x13900, s6;
	[dreg:$0x5] =	wrdreg s14  }
0xb: {  	s13 =	sor.u32 s6, s13;
	s24 =	ssub.s32 $0x2, s6;
	s19 =	smul.u32 $0x28000, s6  }
0xc: {  	s6 =	smul.u32 $0x2800, s6;
	s14 =	simm.s32 $0x3;
	s10 =	sshrl.u32 s5, $0x3  }
0xd: {  	s11 =	sshrl.u32 s7, $0x3;
	s15 =	smul.u32 $0x500, s13;
	s16 =	sshrl.u32 s24, $0x1  }
0xe: {  	s13 =	smul.u32 $0x5000, s13;
	s10 =	sadd.s32 s10, s1;
	s11 =	sadd.s32 s11, s1  }
0xf: {  	s8 =	sadd.s32 s5, s8;
	s12 =	sadd.s32 s7, s12;
	s25 =	ssub.s32 s24, s16  }
0x10: {  	s5 =	sadd.s32 s5, s2;
	s16 =	sor.u32 $0x1C04, s18;
	s7 =	sadd.s32 s7, s3  }
0x11: {  	s6 =	sadd.s32 s6, s20;
	s20 =	simm.s32 $0x3AB0;
	s18 =	simm.s32 $0x4  }
0x12: {  	s8 =	sshrl.u32 s8, $0x3;
	s12 =	sshrl.u32 s12, $0x3;
	[dreg:$0x8] =	wrdreg s5  }
0x13: {  	s26 =	sadd.s32 s0, s15;
	s13 =	sadd.s32 s9, s13;
	[dreg:$0xb] =	wrdreg s7  }
0x14: {  	s15 =	smul.u32 $0x50000, s17;
	s10 =	sadd.s32 $0xA4A00, s10;
	[dreg:$0xa] =	wrdreg s16  }
0x15: {  	s21 =	sadd.s32 $0xA2200, s11;
	s23 =	smax.u32 s25, $0x1;
	[dreg:$0x6] =	wrdreg s26  }
0x16: {  	s24 =	sor.u32 $0x200, s6;
	s6 =	sor.u32 $0x400, s6;
	[dreg:$0x7] =	wrdreg s13  }
0x17: {  	s7 =	simm.s32 $0x3D30;
	s11 =	simm.s32 $0x6EB0;
	[dreg:$0x9] =	wrdreg s10  }
0x18: {  	s8 =	sadd.s32 s8, s1;
	s1 =	sadd.s32 s12, s1;
	[dreg:$0xc] =	wrdreg s21  }
0x19: {  	[dreg:$0xf] =	wrdreg s23;
	s26 =	sshrl.u32 s6, $0x3;
	s21 =	simm.s32 $0x3EB0  }
0x1a: {  	s23 =	simm.s32 $0x7EB0;
	s6 =	simm.s32 $0x2;
	s12 =	simm.s32 $0x3E30  }
0x1b: {  	s13 =	simm.s32 $0x76B0;
	s5 =	sadd.s32 s19, s15;
	s8 =	sadd.s32 $0xA9A00, s8  }
0x1c: {  	s1 =	sadd.s32 $0xB3800, s1;
	s19 =	sadd.s32 s26, s0;
	[dreg:$0xd] =	wrdreg s8  }
0x1d: {  	s26 =	simm.s32 $0x1;
	s15 =	simm.s32 $0x0;
	[dreg:$0xe] =	wrdreg s1  }
0x1e: {  	s22 =	sor.u32 $0x2000, s5;
	s5 =	sor.u32 $0x4000, s5;
	s8 =	simm.s32 $0x66B0  }
.Ltmp0:
0x1f: {  	s1 =	sshrl.u32 s22, $0x3;
	s5 =	sshrl.u32 s5, $0x3;
	(pc) =	sbr.rel .LBB2_1-.Ltmp0, $4  }
0x20: {  	s1 =	sadd.s32 s1, s9;
	s25 =	sadd.s32 s5, s9;
	s5 =	simm.s32 $0x56B0  }
0x21: {  	s9 =	simm.s32 $0x3DB0;
	[dreg:$0x10] =	wrdreg s1;
	s1 =	sshrl.u32 s24, $0x3  }
0x22: {  	[dreg:$0x11] =	wrdreg s25;
	s24 =	simm.s32 $0x3CB0;
	s25 =	simm.s32 $0x5EB0  }
0x23: {  	s17 =	sadd.s32 s1, s0;
	s0 =	simm.s32 $0x4EB0;
	s1 =	simm.s32 $0x3C30  }
.LBB2_4:
0x24: {  	[bflag:$0x0] =	sbarrier.arrive $0xFFFF  }
0x25: {  	s16 =	rddreg [dreg:$0xa]  }
0x26: {  	s10 =	rddreg [dreg:$0xd]  }
0x27: {  	s18 =	rddreg [dreg:$0x12]  }
0x28: {  	[hbm:s10], [sflag:s16] =	dma.local [spmem:s18], $0x4E4  }
0x29: {  	s18 =	simm.s32 $0x4  }
0x2a: {  	_ =	swait.ge [sflag:s18], $0x4E4  }
0x2b: {  	[sflag:s18] =	ssyncset.done $0x0;
	s10 =	rddreg [dreg:$0xe]  }
0x2c: {  	s22 =	rddreg [dreg:$0x13];
	[sflag:s18] =	ssyncadd.s32 $0xFFFFFB1C  }
0x2d: {  	[hbm:s10], [sflag:s16] =	dma.local [spmem:s22], $0x272  }
0x2e: {  	_ =	swait.ge [sflag:s18], $0x272  }
0x2f: {  	s15 =	sadd.s32 $0x1, s15;
	s22 =	rddreg [dreg:$0xf]  }
0x30: {  	p0 =	sne.s32 s15, s22  }
.Ltmp1:
0x31: {  	_ = 	snop;
	(pc) =	sbr.rel @!p0 .LBB2_5-.Ltmp1, $3  }
0x32: {  	_ =	sdelay $0x1  }
0x33: {  	[sflag:s18] =	ssyncset.done $0x0  }
0x34: {  	[sflag:s18] =	ssyncadd.s32 $0xFFFFFD8E  }
.LBB2_1:
0x35: {  	s10 =	rddreg [dreg:$0x6]  }
0x36: {  	[tilespmem:s20], [sflag:$0x1] =	stream.linear.gather [hbm4b:s10+s4], $0x200, $0x38;
	[tilespmem:$0x82B0] =	vst v63  }
0x37: {  	s22 =	rddreg [dreg:$0x7]  }
0x38: {  	[tilespmem:s21], [sflag:$0x1] =	stream.linear.gather [hbm4b:s22+s4], $0x2000, $0x38;
	[tilespmem:$0x82B0] =	vst v63  }
0x39: {  	s22 =	rddreg [dreg:$0x8]  }
0x3a: {  	s10 =	rddreg [dreg:$0x9];
	s22 =	sshrl.u32 s22, $0x3  }
0x3b: {  	[dreg:$0x12] =	wrdreg s22  }
0x3c: {  	[spmem:s22], [sflag:s16] =	dma.local [hbm:s10], $0x4E4  }
0x3d: {  	_ =	swait.ge [sflag:s18], $0x4E4  }
0x3e: {  	s22 =	rddreg [dreg:$0xb]  }
0x3f: {  	[sflag:s18] =	ssyncset.done $0x0;
	s10 =	rddreg [dreg:$0xc];
	s22 =	sshrl.u32 s22, $0x3  }
0x40: {  	[sflag:s18] =	ssyncadd.s32 $0xFFFFFB1C;
	[dreg:$0x13] =	wrdreg s22  }
0x41: {  	[spmem:s22], [sflag:s16] =	dma.local [hbm:s10], $0x272  }
0x42: {  	_ =	swait.ge [sflag:s18], $0x272  }
0x43: {  	[sflag:s18] =	ssyncset.done $0x0  }
0x44: {  	s22 =	rddreg [dreg:$0x5];
	[sflag:s18] =	ssyncadd.s32 $0xFFFFFD8E  }
0x45: {  	[tilespmem:s23], [sflag:$0x4] =	stream.linear.gather [hbm4b:s22+s4], $0x400, $0x38;
	[tilespmem:$0x82B0] =	vst v63  }
0x46: {  	_ =	swait.ge [sflag:s18], $0x400  }
0x47: {  	[sflag:s18] =	ssyncset.done $0x0  }
0x48: {  	[sflag:s18] =	ssyncadd.s32 $0xFFFFFC00  }
0x49: {  	[bflag:$0x0] =	sbarrier.arrive $0xFFFF  }
0x4a: {  	s10 =	rddreg [dreg:$0x11]  }
0x4b: {  	s16 =	simm.s32 $0x0;
	s18 =	rddreg [dreg:$0x10]  }
.LBB2_2:
0x4c: {  	s22 =	sadd.s32 s16, s17  }
0x4d: {  	[tilespmem:s24], [sflag:$0x2] =	stream.linear.gather [hbm4b:s22+s4], $0x200, $0x38;
	[tilespmem:$0x82B0] =	vst v63  }
0x4e: {  	_ = 	snop  }
0x4f: {  	[tilespmem:s25], [sflag:$0x2] =	stream.linear.gather [hbm4b:s18+s4], $0x2000, $0x38;
	[tilespmem:$0x82B0] =	vst v63  }
0x50: {  	_ =	swait.ge [sflag:s26], $0x200  }
0x51: {  	[sflag:s26] =	ssyncset.done $0x0  }
0x52: {  	[sflag:s26] =	ssyncadd.s32 $0xFFFFFE00  }
0x53: {  	_ =	swait.ge [sflag:s26], $0x2000  }
0x54: {  	[sflag:s26] =	ssyncset.done $0x0  }
0x55: {  	[sflag:s26] =	ssyncadd.s32 $0xFFFFE000  }
0x56: {  	[spmem:s2] =	stream.indirect.scatter.add.f32 [tilespmem:s21], [sflag:$0x3], $0x10, s20, s28, $0xb8;
	[tilespmem:$0x82B0] =	vst v63  }
0x57: {  	_ = 	snop  }
0x58: {  	[spmem:s3] =	stream.indirect.scatter.add.f32 [tilespmem:s23], [sflag:$0x3], $0x8, s20, s28, $0xb8;
	[tilespmem:$0x82B0] =	vst v63  }
0x59: {  	_ = 	snop  }
0x5a: {  	[spmem:s2] =	stream.indirect.scatter.add.f32 [tilespmem:s30], [sflag:$0x3], $0x10, s29, s28, $0xb8;
	[tilespmem:$0x82B0] =	vst v63  }
0x5b: {  	_ = 	snop  }
0x5c: {  	[spmem:s3] =	stream.indirect.scatter.add.f32 [tilespmem:s23], [sflag:$0x3], $0x8, s29, s28, $0xb8;
	[tilespmem:$0x82B0] =	vst v63  }
0x5d: {  	_ = 	snop  }
0x5e: {  	[spmem:s2] =	stream.indirect.scatter.add.f32 [tilespmem:s0], [sflag:$0x3], $0x10, s31, s28, $0xb8;
	[tilespmem:$0x82B0] =	vst v63  }
0x5f: {  	_ = 	snop  }
0x60: {  	[spmem:s3] =	stream.indirect.scatter.add.f32 [tilespmem:s23], [sflag:$0x3], $0x8, s31, s28, $0xb8;
	[tilespmem:$0x82B0] =	vst v63  }
0x61: {  	_ = 	snop  }
0x62: {  	[spmem:s2] =	stream.indirect.scatter.add.f32 [tilespmem:s5], [sflag:$0x3], $0x10, s1, s28, $0xb8;
	[tilespmem:$0x82B0] =	vst v63  }
0x63: {  	_ = 	snop  }
0x64: {  	[spmem:s3] =	stream.indirect.scatter.add.f32 [tilespmem:s23], [sflag:$0x3], $0x8, s1, s28, $0xb8;
	[tilespmem:$0x82B0] =	vst v63  }
0x65: {  	_ =	swait.ge [sflag:s6], $0x200  }
0x66: {  	[sflag:s6] =	ssyncset.done $0x0  }
0x67: {  	[sflag:s6] =	ssyncadd.s32 $0xFFFFFE00  }
0x68: {  	_ =	swait.ge [sflag:s6], $0x2000  }
0x69: {  	[sflag:s6] =	ssyncset.done $0x0  }
0x6a: {  	[sflag:s6] =	ssyncadd.s32 $0xFFFFE000  }
0x6b: {  	[spmem:s2] =	stream.indirect.scatter.add.f32 [tilespmem:s25], [sflag:$0x3], $0x10, s24, s28, $0xb8;
	[tilespmem:$0x82B0] =	vst v63  }
0x6c: {  	_ = 	snop  }
0x6d: {  	[spmem:s3] =	stream.indirect.scatter.add.f32 [tilespmem:s23], [sflag:$0x3], $0x8, s24, s28, $0xb8;
	[tilespmem:$0x82B0] =	vst v63  }
0x6e: {  	_ = 	snop  }
0x6f: {  	[spmem:s2] =	stream.indirect.scatter.add.f32 [tilespmem:s8], [sflag:$0x3], $0x10, s7, s28, $0xb8;
	[tilespmem:$0x82B0] =	vst v63  }
0x70: {  	_ = 	snop  }
0x71: {  	[spmem:s3] =	stream.indirect.scatter.add.f32 [tilespmem:s23], [sflag:$0x3], $0x8, s7, s28, $0xb8;
	[tilespmem:$0x82B0] =	vst v63  }
0x72: {  	_ = 	snop  }
0x73: {  	[spmem:s2] =	stream.indirect.scatter.add.f32 [tilespmem:s11], [sflag:$0x3], $0x10, s9, s28, $0xb8;
	[tilespmem:$0x82B0] =	vst v63  }
0x74: {  	_ = 	snop  }
0x75: {  	[spmem:s3] =	stream.indirect.scatter.add.f32 [tilespmem:s23], [sflag:$0x3], $0x8, s9, s28, $0xb8;
	[tilespmem:$0x82B0] =	vst v63  }
0x76: {  	_ = 	snop  }
0x77: {  	[spmem:s2] =	stream.indirect.scatter.add.f32 [tilespmem:s13], [sflag:$0x3], $0x10, s12, s28, $0xb8;
	[tilespmem:$0x82B0] =	vst v63  }
0x78: {  	_ = 	snop  }
0x79: {  	[spmem:s3] =	stream.indirect.scatter.add.f32 [tilespmem:s23], [sflag:$0x3], $0x8, s12, s28, $0xb8;
	[tilespmem:$0x82B0] =	vst v63  }
0x7a: {  	_ =	swait.ge [sflag:s14], $0x800  }
0x7b: {  	[sflag:s14] =	ssyncset.done $0x0  }
0x7c: {  	[sflag:s14] =	ssyncadd.s32 $0xFFFFF800  }
0x7d: {  	_ =	swait.ge [sflag:s14], $0x400  }
0x7e: {  	[sflag:s14] =	ssyncset.done $0x0  }
0x7f: {  	[sflag:s14] =	ssyncadd.s32 $0xFFFFFC00  }
0x80: {  	_ =	swait.ge [sflag:s14], $0x800  }
0x81: {  	[sflag:s14] =	ssyncset.done $0x0  }
0x82: {  	[sflag:s14] =	ssyncadd.s32 $0xFFFFF800  }
0x83: {  	_ =	swait.ge [sflag:s14], $0x400  }
0x84: {  	[sflag:s14] =	ssyncset.done $0x0  }
0x85: {  	[sflag:s14] =	ssyncadd.s32 $0xFFFFFC00  }
0x86: {  	_ =	swait.ge [sflag:s14], $0x800  }
0x87: {  	[sflag:s14] =	ssyncset.done $0x0  }
0x88: {  	[sflag:s14] =	ssyncadd.s32 $0xFFFFF800  }
0x89: {  	_ =	swait.ge [sflag:s14], $0x400  }
0x8a: {  	[sflag:s14] =	ssyncset.done $0x0  }
0x8b: {  	[sflag:s14] =	ssyncadd.s32 $0xFFFFFC00  }
0x8c: {  	_ =	swait.ge [sflag:s14], $0x800  }
0x8d: {  	[sflag:s14] =	ssyncset.done $0x0  }
0x8e: {  	[sflag:s14] =	ssyncadd.s32 $0xFFFFF800  }
0x8f: {  	_ =	swait.ge [sflag:s14], $0x400  }
0x90: {  	[sflag:s14] =	ssyncset.done $0x0  }
0x91: {  	[sflag:s14] =	ssyncadd.s32 $0xFFFFFC00  }
0x92: {  	_ =	swait.ge [sflag:s14], $0x800  }
0x93: {  	[sflag:s14] =	ssyncset.done $0x0  }
0x94: {  	[sflag:s14] =	ssyncadd.s32 $0xFFFFF800  }
0x95: {  	_ =	swait.ge [sflag:s14], $0x400  }
0x96: {  	[sflag:s14] =	ssyncset.done $0x0  }
0x97: {  	[sflag:s14] =	ssyncadd.s32 $0xFFFFFC00  }
0x98: {  	_ =	swait.ge [sflag:s14], $0x800  }
0x99: {  	[sflag:s14] =	ssyncset.done $0x0  }
0x9a: {  	[sflag:s14] =	ssyncadd.s32 $0xFFFFF800  }
0x9b: {  	_ =	swait.ge [sflag:s14], $0x400  }
0x9c: {  	[sflag:s14] =	ssyncset.done $0x0  }
0x9d: {  	[sflag:s14] =	ssyncadd.s32 $0xFFFFFC00  }
0x9e: {  	_ =	swait.ge [sflag:s14], $0x800  }
0x9f: {  	[sflag:s14] =	ssyncset.done $0x0  }
0xa0: {  	[sflag:s14] =	ssyncadd.s32 $0xFFFFF800  }
0xa1: {  	_ =	swait.ge [sflag:s14], $0x400  }
0xa2: {  	[sflag:s14] =	ssyncset.done $0x0  }
0xa3: {  	[sflag:s14] =	ssyncadd.s32 $0xFFFFFC00  }
0xa4: {  	p0 =	seq.s32 s16, $0x480;
	_ =	swait.ge [sflag:s14], $0x800  }
.Ltmp2:
0xa5: {  	[sflag:s14] =	ssyncset.done $0x0;
	(pc) =	sbr.rel @p0 .LBB2_4-.Ltmp2, $4  }
0xa6: {  	[sflag:s14] =	ssyncadd.s32 $0xFFFFF800  }
0xa7: {  	_ =	swait.ge [sflag:s14], $0x400  }
0xa8: {  	[sflag:s14] =	ssyncset.done $0x0  }
0xa9: {  	[sflag:s14] =	ssyncadd.s32 $0xFFFFFC00  }
.Ltmp3:
0xaa: {  	s22 =	sadd.s32 s16, s19;
	(pc) =	sbr.rel .LBB2_2-.Ltmp3, $4  }
0xab: {  	[tilespmem:s20], [sflag:$0x1] =	stream.linear.gather [hbm4b:s22+s4], $0x200, $0x38;
	[tilespmem:$0x82B0] =	vst v63  }
0xac: {  	_ = 	snop  }
0xad: {  	[tilespmem:s21], [sflag:$0x1] =	stream.linear.gather [hbm4b:s10+s4], $0x2000, $0x38;
	[tilespmem:$0x82B0] =	vst v63  }
0xae: {  	s18 =	sadd.s32 $0x800, s18;
	s16 =	sadd.s32 $0x80, s16;
	s10 =	sadd.s32 $0x800, s10  }
.LBB2_5:
0xaf: {  	_ =	sfence.sel $0x180000  }
0xb0: {  	[bflag:$0x0] =	sbarrier.arrive $0xFFFF  }
0xb1: {  	_ =	strace $0x90000047  }
0xb2: {  	s0 =	stileid.u32;
	[bflag:$0x2] =	sbarrier.arrive $0xFFFF  }
0xb3: {  	p0 =	sne.s32 s0, $0x0;
	s0 =	rddreg [dreg:$0x4]  }
0xb4: {  	s0 =	sadd.s32 @!p0 $0x100000, s0  }
0xb5: {  	[sflag:s0] =	ssyncadd.tile.s32 @!p0 $0x1;
	_ =	shalt  }
.Lfunc_end2:
_tile_overlayer_lowered:
.L_overlay_start_2:
0xb6: {  	(tag) =	ssettag $0x2  }
0xb7: {  	s0 =	rddreg [dreg:$0x0];
	s2 =	stileid.u32  }
0xb8: {  	s1 =	rddreg [dreg:$0x1];
	p0 =	sne.s32 s2, $0x0  }
0xb9: {  	s3 =	rddreg [dreg:$0x2];
	[bflag:$0x3] =	sbarrier.arrive $0xFFFF;
	s2 =	simm.s32 @!p0 $0x1C04  }
0xba: {  	[timem:s3], [sflag:s2] =	dma.local @!p0 [hbm:s0], s1  }
0xbb: {  	s0 =	simm.s32 @!p0 $0x4  }
0xbc: {  	_ =	swait.ge @!p0 [sflag:s0], s1  }
0xbd: {  	s1 =	ssub.s32 @!p0 $0x0, s1;
	[sflag:s0] =	ssyncset.done @!p0 $0x0  }
0xbe: {  	[sflag:s0] =	ssyncadd.s32 @!p0 s1  }
0xbf: {  	[bflag:$0x3] =	sbarrier.arrive $0xFFFF  }
0xc0: {  	_ =	shalt  }

</sc_bundles>
